<compile_context>
chip_gen: v7x
topology: tpu7x:2x2x1
jax: 0.10.2.dev20260603
libtpu: 0.0.44.dev20260713+nightly
codegen_flags: <defaults>
</compile_context>

<pallas_src>
import functools

import jax
import jax.numpy as jnp
from jax import lax
from jax.experimental import pallas as pl
from jax.experimental.pallas import tpu as pltpu
from jax.experimental.pallas import tpu_sc as plsc

NC = 2
NS = 16
NW = NC * NS
CHUNK = 128


def _elu(v):
    return jnp.where(v > 0, v, jnp.exp(jnp.minimum(v, 0.0)) - 1.0)



def _make_deg_kernel(n_pad, d, n_chunks_total):
    per_tile = n_chunks_total // NW
    rps = n_pad // NS
    mesh = plsc.VectorSubcoreMesh(core_axis_name="c", subcore_axis_name="s",
                                  num_cores=NC, num_subcores=NS)

    @functools.partial(
        pl.kernel,
        out_type=jax.ShapeDtypeStruct((NC, n_pad, d), jnp.float32),
        mesh=mesh,
        scratch_types=[
            pltpu.VMEM((per_tile, CHUNK), jnp.int32),
            pltpu.VMEM((CHUNK, d), jnp.float32),
            pltpu.VMEM_SHARED((n_pad, d), jnp.float32),
            pltpu.SemaphoreType.DMA,
        ],
    )
    def deg_kernel(col2d, ones_hbm, zeros_hbm, out_hbm, cidx, ones_v, acc, sem):
        c = lax.axis_index("c")
        s = lax.axis_index("s")
        tile = c * NS + s
        pltpu.sync_copy(zeros_hbm.at[pl.ds(s * rps, rps)], acc.at[pl.ds(s * rps, rps)])
        pltpu.sync_copy(col2d.at[pl.ds(tile * per_tile, per_tile)], cidx)
        pltpu.sync_copy(ones_hbm, ones_v)
        plsc.subcore_barrier()

        def body(j, carry):
            pltpu.async_copy(ones_v, acc.at[cidx.at[j]], sem, add=True)
            return carry

        lax.fori_loop(0, per_tile, body, 0)

        def drain(j, carry):
            pltpu.make_async_copy(ones_v, acc.at[cidx.at[j]], sem).wait()
            return carry

        lax.fori_loop(0, per_tile, drain, 0)
        plsc.subcore_barrier()
        pltpu.sync_copy(acc.at[pl.ds(s * rps, rps)],
                        out_hbm.at[c, pl.ds(s * rps, rps)])

    return deg_kernel


GROUP = 16


def _make_conv_kernel(n, n_pad, d, n_chunks_total):
    per_tile = n_chunks_total // NW
    assert per_tile % GROUP == 0
    rps = n_pad // NS
    mesh = plsc.VectorSubcoreMesh(core_axis_name="c", subcore_axis_name="s",
                                  num_cores=NC, num_subcores=NS)

    @functools.partial(
        pl.kernel,
        out_type=jax.ShapeDtypeStruct((NC, n_pad, d), jnp.float32),
        mesh=mesh,
        scratch_types=[
            pltpu.VMEM((GROUP, CHUNK), jnp.int32),
            pltpu.VMEM((GROUP, CHUNK), jnp.int32),
            pltpu.VMEM((2, CHUNK, d), jnp.float32),
            pltpu.VMEM_SHARED((n_pad, d), jnp.float32),
            pltpu.SemaphoreType.DMA,
            pltpu.SemaphoreType.DMA,
        ],
    )
    def conv_kernel(g_hbm, row2d, col2d, zeros_hbm, out_hbm,
                    ridx, cidx, rows, acc, gsem, ssem):
        c = lax.axis_index("c")
        s = lax.axis_index("s")
        tile = c * NS + s
        pltpu.sync_copy(zeros_hbm.at[pl.ds(s * rps, rps)], acc.at[pl.ds(s * rps, rps)])
        plsc.subcore_barrier()

        def outer(gi, carry):
            base = tile * per_tile + gi * GROUP
            pltpu.sync_copy(row2d.at[pl.ds(base, GROUP)], ridx)
            pltpu.sync_copy(col2d.at[pl.ds(base, GROUP)], cidx)
            pltpu.async_copy(g_hbm.at[ridx.at[0]], rows.at[0], gsem)

            def inner(j, c2):
                pltpu.make_async_copy(g_hbm.at[ridx.at[j]], rows.at[j % 2],
                                      gsem).wait()
                pltpu.async_copy(rows.at[j % 2], acc.at[cidx.at[j]], ssem,
                                 add=True)

                @pl.when(j >= 1)
                def _():
                    pltpu.make_async_copy(rows.at[(j + 1) % 2],
                                          acc.at[cidx.at[j]], ssem).wait()

                @pl.when(j + 1 < GROUP)
                def _():
                    pltpu.async_copy(g_hbm.at[ridx.at[j + 1]],
                                     rows.at[(j + 1) % 2], gsem)

                return c2

            lax.fori_loop(0, GROUP, inner, 0)
            pltpu.make_async_copy(rows.at[0], acc.at[cidx.at[0]], ssem).wait()
            return carry

        lax.fori_loop(0, per_tile // GROUP, outer, 0)
        plsc.subcore_barrier()
        pltpu.sync_copy(acc.at[pl.ds(s * rps, rps)],
                        out_hbm.at[c, pl.ds(s * rps, rps)])

    return conv_kernel



def _dis_from_degp(degp_blk):
    deg = degp_blk[0, :, 0:1] + degp_blk[1, :, 0:1] + 1.0
    return lax.rsqrt(deg)


def _prep_body(x_ref, w_ref, degp_ref, g_ref):
    dis = _dis_from_degp(degp_ref)
    g_ref[...] = jnp.dot(x_ref[...], w_ref[...],
                         preferred_element_type=jnp.float32) * dis


def _mid1_body(sp_ref, g_ref, w_ref, b_ref, degp_ref, h_ref, gn_ref):
    dis = _dis_from_degp(degp_ref)
    conv = dis * (sp_ref[0] + sp_ref[1] + g_ref[...]) + b_ref[...]
    h = _elu(conv)
    h_ref[...] = h
    gn_ref[...] = jnp.dot(h, w_ref[...],
                          preferred_element_type=jnp.float32) * dis


def _mid2_body(sp_ref, g_ref, hprev_ref, w_ref, b_ref, degp_ref, h_ref, u_ref):
    dis = _dis_from_degp(degp_ref)
    conv = dis * (sp_ref[0] + sp_ref[1] + g_ref[...]) + b_ref[...]
    h = _elu(hprev_ref[...] + conv)
    h_ref[...] = h
    u_ref[...] = jnp.dot(h, w_ref[...],
                         preferred_element_type=jnp.float32) * dis


def _make_final_body(n_blocks):
    def _final_body(ap_ref, g3_ref, g30_ref, h2r_ref, degp_ref, b3_ref,
                    lng_ref, lnb_ref, w1_ref, b1_ref, w2_ref, b2_ref,
                    out_ref, acc_ref):
        i = pl.program_id(0)

        @pl.when(i == 0)
        def _():
            acc_ref[...] = jnp.zeros_like(acc_ref)

        a = ap_ref[0, :, 0:1] + ap_ref[1, :, 0:1]
        acc_ref[0:1, :] += jnp.sum(g3_ref[...] * a, axis=0, keepdims=True)

        @pl.when(i == n_blocks - 1)
        def _():
            deg0 = degp_ref[0, 0, 0] + degp_ref[1, 0, 0] + 1.0
            dis0 = lax.rsqrt(deg0)
            t0 = acc_ref[0:1, :] + g30_ref[0:1, :]
            conv = dis0 * t0 + b3_ref[...]
            h3 = _elu(h2r_ref[0:1, :] + conv)
            mu = jnp.mean(h3)
            var = jnp.mean((h3 - mu) ** 2)
            hln = (h3 - mu) / jnp.sqrt(var + 1e-5) * lng_ref[...] + lnb_ref[...]
            te = _elu(jnp.dot(hln, w1_ref[...],
                              preferred_element_type=jnp.float32)
                      + b1_ref[...])
            out_ref[...] = jnp.dot(te, w2_ref[...],
                                   preferred_element_type=jnp.float32) \
                + b2_ref[...]

    return _final_body



def kernel(x, edge_index, W1, b1, W2, b2, W3, b3, ln_g, ln_b,
           lin1_W, lin1_b, lin2_W, lin2_b):
    n, d = x.shape
    e = edge_index.shape[1]
    out_dim = lin2_W.shape[1]

    n_pad = ((n + CHUNK + NS * 8 - 1) // (NS * 8)) * (NS * 8)
    grain = NW * 8 * CHUNK
    e_pad = ((e + grain - 1) // grain) * grain
    n_chunks_total = e_pad // CHUNK

    row = edge_index[0]
    col = edge_index[1]
    pad = e_pad - e
    pad_i = jnp.arange(pad, dtype=jnp.int32)
    row_p = jnp.concatenate([row, pad_i % n])
    col_p = jnp.concatenate([col, n + pad_i % (n_pad - n)])
    row2d = row_p.reshape(-1, CHUNK)
    col2d = col_p.reshape(-1, CHUNK)
    all_i = jnp.arange(e_pad, dtype=jnp.int32)
    midx2d = jnp.where(col_p == 0, row_p,
                       n + all_i % (n_pad - n)).reshape(-1, CHUNK)
    zeros_nd = jnp.zeros((n_pad, d), jnp.float32)
    ones_d = jnp.ones((CHUNK, d), jnp.float32)

    deg_sc = _make_deg_kernel(n_pad, d, n_chunks_total)
    conv_sc = _make_conv_kernel(n, n_pad, d, n_chunks_total)

    R = 2000
    grid = (n // R,)
    bs_nd = pl.BlockSpec((R, d), lambda i: (i, 0))
    bs_sp = pl.BlockSpec((NC, R, d), lambda i: (0, i, 0))
    bs_degp = pl.BlockSpec((NC, R, d), lambda i: (0, i, 0))
    bs_w = pl.BlockSpec((d, d), lambda i: (0, 0))
    bs_b = pl.BlockSpec((1, d), lambda i: (0, 0))
    shape_nd = jax.ShapeDtypeStruct((n, d), jnp.float32)

    degp = deg_sc(col2d, ones_d, zeros_nd)

    g1 = pl.pallas_call(
        _prep_body, grid=grid,
        in_specs=[bs_nd, bs_w, bs_degp],
        out_specs=bs_nd, out_shape=shape_nd,
    )(x, W1, degp)

    s1p = conv_sc(g1, row2d, col2d, zeros_nd)

    h1, g2 = pl.pallas_call(
        _mid1_body, grid=grid,
        in_specs=[bs_sp, bs_nd, bs_w, bs_b, bs_degp],
        out_specs=[bs_nd, bs_nd], out_shape=[shape_nd, shape_nd],
    )(s1p, g1, W2, b1.reshape(1, d), degp)

    s2p = conv_sc(g2, row2d, col2d, zeros_nd)

    h2, g3 = pl.pallas_call(
        _mid2_body, grid=grid,
        in_specs=[bs_sp, bs_nd, bs_nd, bs_w, bs_b, bs_degp],
        out_specs=[bs_nd, bs_nd], out_shape=[shape_nd, shape_nd],
    )(s2p, g2, h1, W3, b2.reshape(1, d), degp)

    ap = deg_sc(midx2d, ones_d, zeros_nd)

    out = pl.pallas_call(
        _make_final_body(grid[0]), grid=grid,
        in_specs=[
            bs_sp,
            bs_nd,
            pl.BlockSpec((8, d), lambda i: (0, 0)),
            pl.BlockSpec((8, d), lambda i: (0, 0)),
            pl.BlockSpec((NC, 8, d), lambda i: (0, 0, 0)),
            bs_b, bs_b, bs_b,
            bs_w, bs_b,
            pl.BlockSpec((d, out_dim), lambda i: (0, 0)),
            pl.BlockSpec((1, out_dim), lambda i: (0, 0)),
        ],
        out_specs=pl.BlockSpec((1, out_dim), lambda i: (0, 0)),
        out_shape=jax.ShapeDtypeStruct((1, out_dim), jnp.float32),
        scratch_shapes=[pltpu.VMEM((8, d), jnp.float32)],
    )(ap, g3, g3, h2, degp, b3.reshape(1, d), ln_g.reshape(1, d),
      ln_b.reshape(1, d), lin1_W, lin1_b.reshape(1, d),
      lin2_W, lin2_b.reshape(1, out_dim))

    return out

# --- scband reference (transcript-rebuilt; emitter-appended) ---
"""Pipeline reference for scband-causal-gnn-10110353015176 (READ-ONLY COPY).

The authoritative reference and input builder live on the scoring server;
editing this copy changes nothing except your own understanding.
"""

import jax, jax.numpy as jnp
import numpy as np

N = 10000
E = 320000
D = 128
HID = 128
OUT = 3


def _gcn_conv(x, row, col, norm, W, b, n):
    h = x @ W
    msg = h[row] * norm[:, None]
    out = jax.ops.segment_sum(msg, col, num_segments=n)
    return out + b


def _compute_norm(row, col, n):
    deg = jax.ops.segment_sum(jnp.ones_like(col, dtype=jnp.float32), col, num_segments=n)
    dis = jnp.where(deg > 0, jax.lax.rsqrt(jnp.maximum(deg, 1e-12)), 0.0)
    return dis[row] * dis[col]


def setup_inputs(seed: int = 0) -> dict:
    key = jax.random.key(seed)
    ks = jax.random.split(key, 16)
    s = 1.0 / np.sqrt(HID)
    inp = {}
    inp['x'] = jax.random.normal(ks[0], (N, D), dtype=jnp.float32)
    inp['edge_index'] = jax.random.randint(ks[1], (2, E), 0, N, dtype=jnp.int32)
    inp['W1'] = jax.random.normal(ks[2], (D, HID), dtype=jnp.float32) * s
    inp['b1'] = jnp.zeros((HID,), dtype=jnp.float32)
    inp['W2'] = jax.random.normal(ks[3], (HID, HID), dtype=jnp.float32) * s
    inp['b2'] = jnp.zeros((HID,), dtype=jnp.float32)
    inp['W3'] = jax.random.normal(ks[4], (HID, HID), dtype=jnp.float32) * s
    inp['b3'] = jnp.zeros((HID,), dtype=jnp.float32)
    inp['ln_g'] = jnp.ones((HID,), dtype=jnp.float32)
    inp['ln_b'] = jnp.zeros((HID,), dtype=jnp.float32)
    inp['lin1_W'] = jax.random.normal(ks[5], (HID, HID), dtype=jnp.float32) * s
    inp['lin1_b'] = jnp.zeros((HID,), dtype=jnp.float32)
    inp['lin2_W'] = jax.random.normal(ks[6], (HID, OUT), dtype=jnp.float32) * s
    inp['lin2_b'] = jnp.zeros((OUT,), dtype=jnp.float32)
    return inp


def reference(x, edge_index, W1, b1, W2, b2, W3, b3, ln_g, ln_b, lin1_W, lin1_b, lin2_W, lin2_b):
    n = x.shape[0]
    row = edge_index[0]
    col = edge_index[1]
    loops = jnp.arange(n, dtype=row.dtype)
    row = jnp.concatenate([row, loops])
    col = jnp.concatenate([col, loops])
    norm = _compute_norm(row, col, n)
    # conv1 + ELU (dropout is identity in eval)
    h = jax.nn.elu(_gcn_conv(x, row, col, norm, W1, b1, n))
    # residual conv layers 2..num_layers
    for (W, b) in ((W2, b2), (W3, b3)):
        h_new = _gcn_conv(h, row, col, norm, W, b, n)
        h = jax.nn.elu(h + h_new)
    # LayerNorm
    mu = jnp.mean(h, axis=-1, keepdims=True)
    var = jnp.var(h, axis=-1, keepdims=True)
    hln = (h - mu) / jnp.sqrt(var + 1e-5) * ln_g + ln_b
    # batch is None path: take node 0 as target
    te = hln[0]
    te = jax.nn.elu(te @ lin1_W + lin1_b)
    coords = te @ lin2_W + lin2_b
    return coords[None, :]

if __name__ == "__main__":
    import jax
    _d = setup_inputs()
    print(jax.jit(kernel)(*tuple(_d.values())))

</pallas_src>

<mosaic_0001>
#map = affine_map<(d0, d1) -> (0, 0)>
#map1 = affine_map<(d0, d1) -> (0, 0, 0)>
module attributes {stable_mosaic.version = 14 : i64} {
  func.func @conv_kernel(%arg0: i32, %arg1: i32, %arg2: memref<10000x128xf32, #tpu.memory_space<hbm>>, %arg3: memref<2560x128xi32, #tpu.memory_space<hbm>>, %arg4: memref<2560x128xi32, #tpu.memory_space<hbm>>, %arg5: memref<10240x128xf32, #tpu.memory_space<hbm>>, %arg6: memref<2x10240x128xf32, #tpu.memory_space<hbm>>, %arg7: memref<16x128xi32, #tpu.memory_space<vmem>>, %arg8: memref<16x128xi32, #tpu.memory_space<vmem>>, %arg9: memref<2x128x128xf32, #tpu.memory_space<vmem>>, %arg10: memref<10240x128xf32, #tpu.memory_space<vmem_shared>>, %arg11: memref<!tpu.dma_semaphore, #tpu.memory_space<semaphore_mem>>, %arg12: memref<!tpu.dma_semaphore, #tpu.memory_space<semaphore_mem>>) attributes {dimension_semantics = [#tpu.dimension_semantics<core_parallel>, #tpu.dimension_semantics<subcore_parallel>], iteration_bounds = array<i64: 2, 16>, scalar_prefetch = 0 : i64, scratch_operands = 6 : i64, tpu.core_type = #tpu.core_type<sc_vector_subcore>, window_params = [{transform_indices = #map}, {transform_indices = #map}, {transform_indices = #map}, {transform_indices = #map}, {transform_indices = #map1}]} {
    %mul3A = arith.constant 16 : i32
    %mul3A_0 = arith.muli %arg0, %mul3A : i32
    %add3A = arith.addi %mul3A_0, %arg1 : i32
    %mul3A_1 = arith.constant 640 : i32
    %mul3A_2 = arith.muli %arg1, %mul3A_1 : i32
    %mul3A_3 = arith.constant 640 : i32
    %mul3A_4 = arith.muli %arg1, %mul3A_3 : i32
    "tpu.region"() ({
      %run_scoped3A = tpu.sem_alloc : memref<!tpu.dma_semaphore, #tpu.memory_space<semaphore_mem>>
      %dma_start3A = arith.constant 0 : i32
      %dma_start3A_15 = tpu.memref_slice %arg10[%mul3A_4, %dma_start3A] : memref<10240x128xf32, #tpu.memory_space<vmem_shared>> -> memref<640x128xf32, #tpu.memory_space<vmem_shared>>
      %dma_start3A_16 = arith.constant 0 : i32
      %dma_start3A_17 = tpu.memref_slice %arg5[%mul3A_2, %dma_start3A_16] : memref<10240x128xf32, #tpu.memory_space<hbm>> -> memref<640x128xf32, #tpu.memory_space<hbm>>
      tpu.enqueue_dma source(%dma_start3A_17 : memref<640x128xf32, #tpu.memory_space<hbm>>) target(%dma_start3A_15 : memref<640x128xf32, #tpu.memory_space<vmem_shared>>) target_semaphore(%run_scoped3A : memref<!tpu.dma_semaphore, #tpu.memory_space<semaphore_mem>>)
      %dma_wait3A = arith.constant 0 : i32
      %dma_wait3A_18 = tpu.memref_slice %arg10[%mul3A_4, %dma_wait3A] : memref<10240x128xf32, #tpu.memory_space<vmem_shared>> -> memref<640x128xf32, #tpu.memory_space<vmem_shared>>
      %dma_wait3A_19 = arith.constant 0 : i32
      %dma_wait3A_20 = tpu.memref_slice %arg5[%mul3A_2, %dma_wait3A_19] : memref<10240x128xf32, #tpu.memory_space<hbm>> -> memref<640x128xf32, #tpu.memory_space<hbm>>
      tpu.wait_dma2 semaphore(%run_scoped3A : memref<!tpu.dma_semaphore, #tpu.memory_space<semaphore_mem>>) src(%dma_wait3A_20 : memref<640x128xf32, #tpu.memory_space<hbm>>) dst(%dma_wait3A_18 : memref<640x128xf32, #tpu.memory_space<vmem_shared>>)
      tpu.yield
    }) : () -> ()
    %barrier3A = arith.constant 0 : index
    tpu.barrier barrier_id(%barrier3A)
    %scan3A = arith.constant 0 : i32
    %scan3A_5 = arith.constant 0 : i32
    %scan3A_6 = arith.constant 5 : i32
    %scan3A_7 = arith.addi %scan3A_5, %scan3A_6 : i32
    %scan3A_8 = arith.constant 1 : i32
    scf.for %scan3A_15 = %scan3A_5 to %scan3A_7 step %scan3A_8  : i32 {
      %mul3A_16 = arith.constant 80 : i32
      %mul3A_17 = arith.muli %add3A, %mul3A_16 : i32
      %mul3A_18 = arith.constant 16 : i32
      %mul3A_19 = arith.muli %scan3A_15, %mul3A_18 : i32
      %add3A_20 = arith.addi %mul3A_17, %mul3A_19 : i32
      "tpu.region"() ({
        %run_scoped3A = tpu.sem_alloc : memref<!tpu.dma_semaphore, #tpu.memory_space<semaphore_mem>>
        %dma_start3A_49 = arith.constant 0 : i32
        %dma_start3A_50 = tpu.memref_slice %arg3[%add3A_20, %dma_start3A_49] : memref<2560x128xi32, #tpu.memory_space<hbm>> -> memref<16x128xi32, #tpu.memory_space<hbm>>
        %dma_start3A_51 = arith.constant 0 : i32
        %dma_start3A_52 = tpu.memref_slice %arg3[%add3A_20, %dma_start3A_51] : memref<2560x128xi32, #tpu.memory_space<hbm>> -> memref<16x128xi32, #tpu.memory_space<hbm>>
        tpu.enqueue_dma source(%dma_start3A_52 : memref<16x128xi32, #tpu.memory_space<hbm>>) target(%arg7 : memref<16x128xi32, #tpu.memory_space<vmem>>) target_semaphore(%run_scoped3A : memref<!tpu.dma_semaphore, #tpu.memory_space<semaphore_mem>>)
        %dma_wait3A_53 = arith.constant 0 : i32
        %dma_wait3A_54 = tpu.memref_slice %arg3[%add3A_20, %dma_wait3A_53] : memref<2560x128xi32, #tpu.memory_space<hbm>> -> memref<16x128xi32, #tpu.memory_space<hbm>>
        %dma_wait3A_55 = arith.constant 0 : i32
        %dma_wait3A_56 = tpu.memref_slice %arg3[%add3A_20, %dma_wait3A_55] : memref<2560x128xi32, #tpu.memory_space<hbm>> -> memref<16x128xi32, #tpu.memory_space<hbm>>
        tpu.wait_dma2 semaphore(%run_scoped3A : memref<!tpu.dma_semaphore, #tpu.memory_space<semaphore_mem>>) src(%dma_wait3A_56 : memref<16x128xi32, #tpu.memory_space<hbm>>) dst(%arg7 : memref<16x128xi32, #tpu.memory_space<vmem>>)
        tpu.yield
      }) : () -> ()
      "tpu.region"() ({
        %run_scoped3A = tpu.sem_alloc : memref<!tpu.dma_semaphore, #tpu.memory_space<semaphore_mem>>
        %dma_start3A_49 = arith.constant 0 : i32
        %dma_start3A_50 = tpu.memref_slice %arg4[%add3A_20, %dma_start3A_49] : memref<2560x128xi32, #tpu.memory_space<hbm>> -> memref<16x128xi32, #tpu.memory_space<hbm>>
        %dma_start3A_51 = arith.constant 0 : i32
        %dma_start3A_52 = tpu.memref_slice %arg4[%add3A_20, %dma_start3A_51] : memref<2560x128xi32, #tpu.memory_space<hbm>> -> memref<16x128xi32, #tpu.memory_space<hbm>>
        tpu.enqueue_dma source(%dma_start3A_52 : memref<16x128xi32, #tpu.memory_space<hbm>>) target(%arg8 : memref<16x128xi32, #tpu.memory_space<vmem>>) target_semaphore(%run_scoped3A : memref<!tpu.dma_semaphore, #tpu.memory_space<semaphore_mem>>)
        %dma_wait3A_53 = arith.constant 0 : i32
        %dma_wait3A_54 = tpu.memref_slice %arg4[%add3A_20, %dma_wait3A_53] : memref<2560x128xi32, #tpu.memory_space<hbm>> -> memref<16x128xi32, #tpu.memory_space<hbm>>
        %dma_wait3A_55 = arith.constant 0 : i32
        %dma_wait3A_56 = tpu.memref_slice %arg4[%add3A_20, %dma_wait3A_55] : memref<2560x128xi32, #tpu.memory_space<hbm>> -> memref<16x128xi32, #tpu.memory_space<hbm>>
        tpu.wait_dma2 semaphore(%run_scoped3A : memref<!tpu.dma_semaphore, #tpu.memory_space<semaphore_mem>>) src(%dma_wait3A_56 : memref<16x128xi32, #tpu.memory_space<hbm>>) dst(%arg8 : memref<16x128xi32, #tpu.memory_space<vmem>>)
        tpu.yield
      }) : () -> ()
      %dma_start3A = arith.constant 0 : i32
      %dma_start3A_21 = arith.constant 0 : i32
      %dma_start3A_22 = arith.constant 0 : i32
      %dma_start3A_23 = arith.constant 0 : i32
      %dma_start3A_24 = tpu.memref_slice %arg9[%dma_start3A_21, %dma_start3A_22, %dma_start3A_23] : memref<2x128x128xf32, #tpu.memory_space<vmem>> -> memref<1x128x128xf32, #tpu.memory_space<vmem>>
      %dma_start3A_25 = tpu.memref_squeeze %dma_start3A_24 : memref<1x128x128xf32, #tpu.memory_space<vmem>> -> memref<128x128xf32, #tpu.memory_space<vmem>>
      %dma_start3A_26 = arith.constant 0 : i32
      %dma_start3A_27 = tpu.memref_slice %arg7[%dma_start3A, %dma_start3A_26] : memref<16x128xi32, #tpu.memory_space<vmem>> -> memref<1x128xi32, #tpu.memory_space<vmem>>
      %dma_start3A_28 = tpu.memref_squeeze %dma_start3A_27 : memref<1x128xi32, #tpu.memory_space<vmem>> -> memref<128xi32, #tpu.memory_space<vmem>>
      %dma_start3A_29 = arith.constant 0 : i32
      %dma_start3A_30 = arith.constant 0 : i32
      %dma_start3A_31 = tpu.memref_slice %arg2[%dma_start3A_29, %dma_start3A_30] : memref<10000x128xf32, #tpu.memory_space<hbm>> -> memref<10000x128xf32, #tpu.memory_space<hbm>>
      tpu.enqueue_indirect_dma source(%dma_start3A_31 : memref<10000x128xf32, #tpu.memory_space<hbm>>) target(%dma_start3A_25 : memref<128x128xf32, #tpu.memory_space<vmem>>) offsets(%dma_start3A_28 : memref<128xi32, #tpu.memory_space<vmem>>) semaphore(%arg11 : memref<!tpu.dma_semaphore, #tpu.memory_space<semaphore_mem>>)
      %scan3A_32 = arith.constant 0 : i32
      %scan3A_33 = arith.constant 0 : i32
      %scan3A_34 = arith.constant 16 : i32
      %scan3A_35 = arith.addi %scan3A_33, %scan3A_34 : i32
      %scan3A_36 = arith.constant 1 : i32
      scf.for %scan3A_49 = %scan3A_33 to %scan3A_35 step %scan3A_36  : i32 {
        %jit3A = arith.constant 2 : i32
        %eq3A = arith.constant 0 : i32
        %eq3A_50 = arith.cmpi eq, %jit3A, %eq3A : i32
        %jit3A_51 = arith.constant 1 : i32
        %select_n3A = arith.select %eq3A_50, %jit3A_51, %jit3A : i32
        %rem3A = arith.remsi %scan3A_49, %select_n3A : i32
        %ne3A = arith.constant 0 : i32
        %ne3A_52 = arith.cmpi ne, %rem3A, %ne3A : i32
        %lt3A = arith.constant 0 : i32
        %lt3A_53 = arith.cmpi slt, %rem3A, %lt3A : i32
        %lt3A_54 = arith.constant 0 : i32
        %lt3A_55 = arith.cmpi slt, %select_n3A, %lt3A_54 : i32
        %ne3A_56 = arith.xori %lt3A_53, %lt3A_55 : i1
        %and3A = arith.andi %ne3A_56, %ne3A_52 : i1
        %add3A_57 = arith.addi %rem3A, %select_n3A : i32
        %select_n3A_58 = arith.select %and3A, %add3A_57, %rem3A : i32
        %dma_wait3A_59 = arith.constant 0 : i32
        %dma_wait3A_60 = arith.constant 0 : i32
        %dma_wait3A_61 = tpu.memref_slice %arg9[%select_n3A_58, %dma_wait3A_59, %dma_wait3A_60] : memref<2x128x128xf32, #tpu.memory_space<vmem>> -> memref<1x128x128xf32, #tpu.memory_space<vmem>>
        %dma_wait3A_62 = tpu.memref_squeeze %dma_wait3A_61 : memref<1x128x128xf32, #tpu.memory_space<vmem>> -> memref<128x128xf32, #tpu.memory_space<vmem>>
        %dma_wait3A_63 = arith.constant 0 : i32
        %dma_wait3A_64 = tpu.memref_slice %arg7[%scan3A_49, %dma_wait3A_63] : memref<16x128xi32, #tpu.memory_space<vmem>> -> memref<1x128xi32, #tpu.memory_space<vmem>>
        %dma_wait3A_65 = tpu.memref_squeeze %dma_wait3A_64 : memref<1x128xi32, #tpu.memory_space<vmem>> -> memref<128xi32, #tpu.memory_space<vmem>>
        %dma_wait3A_66 = arith.constant 0 : i32
        %dma_wait3A_67 = arith.constant 0 : i32
        %dma_wait3A_68 = tpu.memref_slice %arg2[%dma_wait3A_66, %dma_wait3A_67] : memref<10000x128xf32, #tpu.memory_space<hbm>> -> memref<10000x128xf32, #tpu.memory_space<hbm>>
        tpu.wait_indirect_dma semaphore(%arg11 : memref<!tpu.dma_semaphore, #tpu.memory_space<semaphore_mem>>) src(%dma_wait3A_68 : memref<10000x128xf32, #tpu.memory_space<hbm>>) dst(%dma_wait3A_62 : memref<128x128xf32, #tpu.memory_space<vmem>>)
        %jit3A_69 = arith.constant 2 : i32
        %eq3A_70 = arith.constant 0 : i32
        %eq3A_71 = arith.cmpi eq, %jit3A_69, %eq3A_70 : i32
        %jit3A_72 = arith.constant 1 : i32
        %select_n3A_73 = arith.select %eq3A_71, %jit3A_72, %jit3A_69 : i32
        %rem3A_74 = arith.remsi %scan3A_49, %select_n3A_73 : i32
        %ne3A_75 = arith.constant 0 : i32
        %ne3A_76 = arith.cmpi ne, %rem3A_74, %ne3A_75 : i32
        %lt3A_77 = arith.constant 0 : i32
        %lt3A_78 = arith.cmpi slt, %rem3A_74, %lt3A_77 : i32
        %lt3A_79 = arith.constant 0 : i32
        %lt3A_80 = arith.cmpi slt, %select_n3A_73, %lt3A_79 : i32
        %ne3A_81 = arith.xori %lt3A_78, %lt3A_80 : i1
        %and3A_82 = arith.andi %ne3A_81, %ne3A_76 : i1
        %add3A_83 = arith.addi %rem3A_74, %select_n3A_73 : i32
        %select_n3A_84 = arith.select %and3A_82, %add3A_83, %rem3A_74 : i32
        %dma_start3A_85 = arith.constant 0 : i32
        %dma_start3A_86 = arith.constant 0 : i32
        %dma_start3A_87 = tpu.memref_slice %arg9[%select_n3A_84, %dma_start3A_85, %dma_start3A_86] : memref<2x128x128xf32, #tpu.memory_space<vmem>> -> memref<1x128x128xf32, #tpu.memory_space<vmem>>
        %dma_start3A_88 = tpu.memref_squeeze %dma_start3A_87 : memref<1x128x128xf32, #tpu.memory_space<vmem>> -> memref<128x128xf32, #tpu.memory_space<vmem>>
        %dma_start3A_89 = arith.constant 0 : i32
        %dma_start3A_90 = tpu.memref_slice %arg8[%scan3A_49, %dma_start3A_89] : memref<16x128xi32, #tpu.memory_space<vmem>> -> memref<1x128xi32, #tpu.memory_space<vmem>>
        %dma_start3A_91 = tpu.memref_squeeze %dma_start3A_90 : memref<1x128xi32, #tpu.memory_space<vmem>> -> memref<128xi32, #tpu.memory_space<vmem>>
        %dma_start3A_92 = arith.constant 0 : i32
        %dma_start3A_93 = arith.constant 0 : i32
        %dma_start3A_94 = tpu.memref_slice %arg10[%dma_start3A_92, %dma_start3A_93] : memref<10240x128xf32, #tpu.memory_space<vmem_shared>> -> memref<10240x128xf32, #tpu.memory_space<vmem_shared>>
        tpu.enqueue_indirect_dma source(%dma_start3A_88 : memref<128x128xf32, #tpu.memory_space<vmem>>) target(%dma_start3A_94 : memref<10240x128xf32, #tpu.memory_space<vmem_shared>>) offsets(%dma_start3A_91 : memref<128xi32, #tpu.memory_space<vmem>>) semaphore(%arg12 : memref<!tpu.dma_semaphore, #tpu.memory_space<semaphore_mem>>) {add = true}
        %ge3A = arith.constant 1 : i32
        %ge3A_95 = arith.cmpi sge, %scan3A_49, %ge3A : i32
        %convert_element_type3A = arith.extui %ge3A_95 : i1 to i32
        %cond3A = arith.constant 0 : i32
        %cond3A_96 = arith.cmpi ne, %convert_element_type3A, %cond3A : i32
        scf.if %cond3A_96 {
          %add3A_104 = arith.constant 1 : i32
          %add3A_105 = arith.addi %scan3A_49, %add3A_104 : i32
          %jit3A_106 = arith.constant 2 : i32
          %eq3A_107 = arith.constant 0 : i32
          %eq3A_108 = arith.cmpi eq, %jit3A_106, %eq3A_107 : i32
          %jit3A_109 = arith.constant 1 : i32
          %select_n3A_110 = arith.select %eq3A_108, %jit3A_109, %jit3A_106 : i32
          %rem3A_111 = arith.remsi %add3A_105, %select_n3A_110 : i32
          %ne3A_112 = arith.constant 0 : i32
          %ne3A_113 = arith.cmpi ne, %rem3A_111, %ne3A_112 : i32
          %lt3A_114 = arith.constant 0 : i32
          %lt3A_115 = arith.cmpi slt, %rem3A_111, %lt3A_114 : i32
          %lt3A_116 = arith.constant 0 : i32
          %lt3A_117 = arith.cmpi slt, %select_n3A_110, %lt3A_116 : i32
          %ne3A_118 = arith.xori %lt3A_115, %lt3A_117 : i1
          %and3A_119 = arith.andi %ne3A_118, %ne3A_113 : i1
          %add3A_120 = arith.addi %rem3A_111, %select_n3A_110 : i32
          %select_n3A_121 = arith.select %and3A_119, %add3A_120, %rem3A_111 : i32
          %dma_wait3A_122 = arith.constant 0 : i32
          %dma_wait3A_123 = arith.constant 0 : i32
          %dma_wait3A_124 = tpu.memref_slice %arg9[%select_n3A_121, %dma_wait3A_122, %dma_wait3A_123] : memref<2x128x128xf32, #tpu.memory_space<vmem>> -> memref<1x128x128xf32, #tpu.memory_space<vmem>>
          %dma_wait3A_125 = tpu.memref_squeeze %dma_wait3A_124 : memref<1x128x128xf32, #tpu.memory_space<vmem>> -> memref<128x128xf32, #tpu.memory_space<vmem>>
          %dma_wait3A_126 = arith.constant 0 : i32
          %dma_wait3A_127 = tpu.memref_slice %arg8[%scan3A_49, %dma_wait3A_126] : memref<16x128xi32, #tpu.memory_space<vmem>> -> memref<1x128xi32, #tpu.memory_space<vmem>>
          %dma_wait3A_128 = tpu.memref_squeeze %dma_wait3A_127 : memref<1x128xi32, #tpu.memory_space<vmem>> -> memref<128xi32, #tpu.memory_space<vmem>>
          %dma_wait3A_129 = arith.constant 0 : i32
          %dma_wait3A_130 = arith.constant 0 : i32
          %dma_wait3A_131 = tpu.memref_slice %arg10[%dma_wait3A_129, %dma_wait3A_130] : memref<10240x128xf32, #tpu.memory_space<vmem_shared>> -> memref<10240x128xf32, #tpu.memory_space<vmem_shared>>
          tpu.wait_indirect_dma semaphore(%arg12 : memref<!tpu.dma_semaphore, #tpu.memory_space<semaphore_mem>>) src(%dma_wait3A_125 : memref<128x128xf32, #tpu.memory_space<vmem>>) dst(%dma_wait3A_131 : memref<10240x128xf32, #tpu.memory_space<vmem_shared>>)
        } else {
        }
        %add3A_97 = arith.constant 1 : i32
        %add3A_98 = arith.addi %scan3A_49, %add3A_97 : i32
        %lt3A_99 = arith.constant 16 : i32
        %lt3A_100 = arith.cmpi slt, %add3A_98, %lt3A_99 : i32
        %convert_element_type3A_101 = arith.extui %lt3A_100 : i1 to i32
        %cond3A_102 = arith.constant 0 : i32
        %cond3A_103 = arith.cmpi ne, %convert_element_type3A_101, %cond3A_102 : i32
        scf.if %cond3A_103 {
          %add3A_104 = arith.constant 1 : i32
          %add3A_105 = arith.addi %scan3A_49, %add3A_104 : i32
          %add3A_106 = arith.constant 1 : i32
          %add3A_107 = arith.addi %scan3A_49, %add3A_106 : i32
          %jit3A_108 = arith.constant 2 : i32
          %eq3A_109 = arith.constant 0 : i32
          %eq3A_110 = arith.cmpi eq, %jit3A_108, %eq3A_109 : i32
          %jit3A_111 = arith.constant 1 : i32
          %select_n3A_112 = arith.select %eq3A_110, %jit3A_111, %jit3A_108 : i32
          %rem3A_113 = arith.remsi %add3A_107, %select_n3A_112 : i32
          %ne3A_114 = arith.constant 0 : i32
          %ne3A_115 = arith.cmpi ne, %rem3A_113, %ne3A_114 : i32
          %lt3A_116 = arith.constant 0 : i32
          %lt3A_117 = arith.cmpi slt, %rem3A_113, %lt3A_116 : i32
          %lt3A_118 = arith.constant 0 : i32
          %lt3A_119 = arith.cmpi slt, %select_n3A_112, %lt3A_118 : i32
          %ne3A_120 = arith.xori %lt3A_117, %lt3A_119 : i1
          %and3A_121 = arith.andi %ne3A_120, %ne3A_115 : i1
          %add3A_122 = arith.addi %rem3A_113, %select_n3A_112 : i32
          %select_n3A_123 = arith.select %and3A_121, %add3A_122, %rem3A_113 : i32
          %dma_start3A_124 = arith.constant 0 : i32
          %dma_start3A_125 = arith.constant 0 : i32
          %dma_start3A_126 = tpu.memref_slice %arg9[%select_n3A_123, %dma_start3A_124, %dma_start3A_125] : memref<2x128x128xf32, #tpu.memory_space<vmem>> -> memref<1x128x128xf32, #tpu.memory_space<vmem>>
          %dma_start3A_127 = tpu.memref_squeeze %dma_start3A_126 : memref<1x128x128xf32, #tpu.memory_space<vmem>> -> memref<128x128xf32, #tpu.memory_space<vmem>>
          %dma_start3A_128 = arith.constant 0 : i32
          %dma_start3A_129 = tpu.memref_slice %arg7[%add3A_105, %dma_start3A_128] : memref<16x128xi32, #tpu.memory_space<vmem>> -> memref<1x128xi32, #tpu.memory_space<vmem>>
          %dma_start3A_130 = tpu.memref_squeeze %dma_start3A_129 : memref<1x128xi32, #tpu.memory_space<vmem>> -> memref<128xi32, #tpu.memory_space<vmem>>
          %dma_start3A_131 = arith.constant 0 : i32
          %dma_start3A_132 = arith.constant 0 : i32
          %dma_start3A_133 = tpu.memref_slice %arg2[%dma_start3A_131, %dma_start3A_132] : memref<10000x128xf32, #tpu.memory_space<hbm>> -> memref<10000x128xf32, #tpu.memory_space<hbm>>
          tpu.enqueue_indirect_dma source(%dma_start3A_133 : memref<10000x128xf32, #tpu.memory_space<hbm>>) target(%dma_start3A_127 : memref<128x128xf32, #tpu.memory_space<vmem>>) offsets(%dma_start3A_130 : memref<128xi32, #tpu.memory_space<vmem>>) semaphore(%arg11 : memref<!tpu.dma_semaphore, #tpu.memory_space<semaphore_mem>>)
        } else {
        }
      }
      %scan3A_37 = arith.constant 16 : i32
      %dma_wait3A = arith.constant 0 : i32
      %dma_wait3A_38 = arith.constant 0 : i32
      %dma_wait3A_39 = arith.constant 0 : i32
      %dma_wait3A_40 = arith.constant 0 : i32
      %dma_wait3A_41 = tpu.memref_slice %arg9[%dma_wait3A, %dma_wait3A_39, %dma_wait3A_40] : memref<2x128x128xf32, #tpu.memory_space<vmem>> -> memref<1x128x128xf32, #tpu.memory_space<vmem>>
      %dma_wait3A_42 = tpu.memref_squeeze %dma_wait3A_41 : memref<1x128x128xf32, #tpu.memory_space<vmem>> -> memref<128x128xf32, #tpu.memory_space<vmem>>
      %dma_wait3A_43 = arith.constant 0 : i32
      %dma_wait3A_44 = tpu.memref_slice %arg8[%dma_wait3A_38, %dma_wait3A_43] : memref<16x128xi32, #tpu.memory_space<vmem>> -> memref<1x128xi32, #tpu.memory_space<vmem>>
      %dma_wait3A_45 = tpu.memref_squeeze %dma_wait3A_44 : memref<1x128xi32, #tpu.memory_space<vmem>> -> memref<128xi32, #tpu.memory_space<vmem>>
      %dma_wait3A_46 = arith.constant 0 : i32
      %dma_wait3A_47 = arith.constant 0 : i32
      %dma_wait3A_48 = tpu.memref_slice %arg10[%dma_wait3A_46, %dma_wait3A_47] : memref<10240x128xf32, #tpu.memory_space<vmem_shared>> -> memref<10240x128xf32, #tpu.memory_space<vmem_shared>>
      tpu.wait_indirect_dma semaphore(%arg12 : memref<!tpu.dma_semaphore, #tpu.memory_space<semaphore_mem>>) src(%dma_wait3A_42 : memref<128x128xf32, #tpu.memory_space<vmem>>) dst(%dma_wait3A_48 : memref<10240x128xf32, #tpu.memory_space<vmem_shared>>)
    }
    %scan3A_9 = arith.constant 5 : i32
    %barrier3A_10 = arith.constant 0 : index
    tpu.barrier barrier_id(%barrier3A_10)
    %mul3A_11 = arith.constant 640 : i32
    %mul3A_12 = arith.muli %arg1, %mul3A_11 : i32
    %mul3A_13 = arith.constant 640 : i32
    %mul3A_14 = arith.muli %arg1, %mul3A_13 : i32
    "tpu.region"() ({
      %run_scoped3A = tpu.sem_alloc : memref<!tpu.dma_semaphore, #tpu.memory_space<semaphore_mem>>
      %dma_start3A = arith.constant 0 : i32
      %dma_start3A_15 = tpu.memref_slice %arg6[%arg0, %mul3A_14, %dma_start3A] : memref<2x10240x128xf32, #tpu.memory_space<hbm>> -> memref<1x640x128xf32, #tpu.memory_space<hbm>>
      %dma_start3A_16 = tpu.memref_squeeze %dma_start3A_15 : memref<1x640x128xf32, #tpu.memory_space<hbm>> -> memref<640x128xf32, #tpu.memory_space<hbm>>
      %dma_start3A_17 = arith.constant 0 : i32
      %dma_start3A_18 = tpu.memref_slice %arg10[%mul3A_12, %dma_start3A_17] : memref<10240x128xf32, #tpu.memory_space<vmem_shared>> -> memref<640x128xf32, #tpu.memory_space<vmem_shared>>
      tpu.enqueue_dma source(%dma_start3A_18 : memref<640x128xf32, #tpu.memory_space<vmem_shared>>) target(%dma_start3A_16 : memref<640x128xf32, #tpu.memory_space<hbm>>) target_semaphore(%run_scoped3A : memref<!tpu.dma_semaphore, #tpu.memory_space<semaphore_mem>>)
      %dma_wait3A = arith.constant 0 : i32
      %dma_wait3A_19 = tpu.memref_slice %arg6[%arg0, %mul3A_14, %dma_wait3A] : memref<2x10240x128xf32, #tpu.memory_space<hbm>> -> memref<1x640x128xf32, #tpu.memory_space<hbm>>
      %dma_wait3A_20 = tpu.memref_squeeze %dma_wait3A_19 : memref<1x640x128xf32, #tpu.memory_space<hbm>> -> memref<640x128xf32, #tpu.memory_space<hbm>>
      %dma_wait3A_21 = arith.constant 0 : i32
      %dma_wait3A_22 = tpu.memref_slice %arg10[%mul3A_12, %dma_wait3A_21] : memref<10240x128xf32, #tpu.memory_space<vmem_shared>> -> memref<640x128xf32, #tpu.memory_space<vmem_shared>>
      tpu.wait_dma2 semaphore(%run_scoped3A : memref<!tpu.dma_semaphore, #tpu.memory_space<semaphore_mem>>) src(%dma_wait3A_22 : memref<640x128xf32, #tpu.memory_space<vmem_shared>>) dst(%dma_wait3A_20 : memref<640x128xf32, #tpu.memory_space<hbm>>)
      tpu.yield
    }) : () -> ()
    return
  }
}

#map = affine_map<(d0, d1) -> (0, 0)>
#map1 = affine_map<(d0, d1) -> (0, 0, 0)>
module attributes {stable_mosaic.version = 14 : i64} {
  func.func @deg_kernel(%arg0: i32, %arg1: i32, %arg2: memref<2560x128xi32, #tpu.memory_space<hbm>>, %arg3: memref<128x128xf32, #tpu.memory_space<hbm>>, %arg4: memref<10240x128xf32, #tpu.memory_space<hbm>>, %arg5: memref<2x10240x128xf32, #tpu.memory_space<hbm>>, %arg6: memref<80x128xi32, #tpu.memory_space<vmem>>, %arg7: memref<128x128xf32, #tpu.memory_space<vmem>>, %arg8: memref<10240x128xf32, #tpu.memory_space<vmem_shared>>, %arg9: memref<!tpu.dma_semaphore, #tpu.memory_space<semaphore_mem>>) attributes {dimension_semantics = [#tpu.dimension_semantics<core_parallel>, #tpu.dimension_semantics<subcore_parallel>], iteration_bounds = array<i64: 2, 16>, scalar_prefetch = 0 : i64, scratch_operands = 4 : i64, tpu.core_type = #tpu.core_type<sc_vector_subcore>, window_params = [{transform_indices = #map}, {transform_indices = #map}, {transform_indices = #map}, {transform_indices = #map1}]} {
    %mul3A = arith.constant 16 : i32
    %mul3A_0 = arith.muli %arg0, %mul3A : i32
    %add3A = arith.addi %mul3A_0, %arg1 : i32
    %mul3A_1 = arith.constant 640 : i32
    %mul3A_2 = arith.muli %arg1, %mul3A_1 : i32
    %mul3A_3 = arith.constant 640 : i32
    %mul3A_4 = arith.muli %arg1, %mul3A_3 : i32
    "tpu.region"() ({
      %run_scoped3A = tpu.sem_alloc : memref<!tpu.dma_semaphore, #tpu.memory_space<semaphore_mem>>
      %dma_start3A = arith.constant 0 : i32
      %dma_start3A_23 = tpu.memref_slice %arg8[%mul3A_4, %dma_start3A] : memref<10240x128xf32, #tpu.memory_space<vmem_shared>> -> memref<640x128xf32, #tpu.memory_space<vmem_shared>>
      %dma_start3A_24 = arith.constant 0 : i32
      %dma_start3A_25 = tpu.memref_slice %arg4[%mul3A_2, %dma_start3A_24] : memref<10240x128xf32, #tpu.memory_space<hbm>> -> memref<640x128xf32, #tpu.memory_space<hbm>>
      tpu.enqueue_dma source(%dma_start3A_25 : memref<640x128xf32, #tpu.memory_space<hbm>>) target(%dma_start3A_23 : memref<640x128xf32, #tpu.memory_space<vmem_shared>>) target_semaphore(%run_scoped3A : memref<!tpu.dma_semaphore, #tpu.memory_space<semaphore_mem>>)
      %dma_wait3A = arith.constant 0 : i32
      %dma_wait3A_26 = tpu.memref_slice %arg8[%mul3A_4, %dma_wait3A] : memref<10240x128xf32, #tpu.memory_space<vmem_shared>> -> memref<640x128xf32, #tpu.memory_space<vmem_shared>>
      %dma_wait3A_27 = arith.constant 0 : i32
      %dma_wait3A_28 = tpu.memref_slice %arg4[%mul3A_2, %dma_wait3A_27] : memref<10240x128xf32, #tpu.memory_space<hbm>> -> memref<640x128xf32, #tpu.memory_space<hbm>>
      tpu.wait_dma2 semaphore(%run_scoped3A : memref<!tpu.dma_semaphore, #tpu.memory_space<semaphore_mem>>) src(%dma_wait3A_28 : memref<640x128xf32, #tpu.memory_space<hbm>>) dst(%dma_wait3A_26 : memref<640x128xf32, #tpu.memory_space<vmem_shared>>)
      tpu.yield
    }) : () -> ()
    %mul3A_5 = arith.constant 80 : i32
    %mul3A_6 = arith.muli %add3A, %mul3A_5 : i32
    "tpu.region"() ({
      %run_scoped3A = tpu.sem_alloc : memref<!tpu.dma_semaphore, #tpu.memory_space<semaphore_mem>>
      %dma_start3A = arith.constant 0 : i32
      %dma_start3A_23 = tpu.memref_slice %arg2[%mul3A_6, %dma_start3A] : memref<2560x128xi32, #tpu.memory_space<hbm>> -> memref<80x128xi32, #tpu.memory_space<hbm>>
      %dma_start3A_24 = arith.constant 0 : i32
      %dma_start3A_25 = tpu.memref_slice %arg2[%mul3A_6, %dma_start3A_24] : memref<2560x128xi32, #tpu.memory_space<hbm>> -> memref<80x128xi32, #tpu.memory_space<hbm>>
      tpu.enqueue_dma source(%dma_start3A_25 : memref<80x128xi32, #tpu.memory_space<hbm>>) target(%arg6 : memref<80x128xi32, #tpu.memory_space<vmem>>) target_semaphore(%run_scoped3A : memref<!tpu.dma_semaphore, #tpu.memory_space<semaphore_mem>>)
      %dma_wait3A = arith.constant 0 : i32
      %dma_wait3A_26 = tpu.memref_slice %arg2[%mul3A_6, %dma_wait3A] : memref<2560x128xi32, #tpu.memory_space<hbm>> -> memref<80x128xi32, #tpu.memory_space<hbm>>
      %dma_wait3A_27 = arith.constant 0 : i32
      %dma_wait3A_28 = tpu.memref_slice %arg2[%mul3A_6, %dma_wait3A_27] : memref<2560x128xi32, #tpu.memory_space<hbm>> -> memref<80x128xi32, #tpu.memory_space<hbm>>
      tpu.wait_dma2 semaphore(%run_scoped3A : memref<!tpu.dma_semaphore, #tpu.memory_space<semaphore_mem>>) src(%dma_wait3A_28 : memref<80x128xi32, #tpu.memory_space<hbm>>) dst(%arg6 : memref<80x128xi32, #tpu.memory_space<vmem>>)
      tpu.yield
    }) : () -> ()
    "tpu.region"() ({
      %run_scoped3A = tpu.sem_alloc : memref<!tpu.dma_semaphore, #tpu.memory_space<semaphore_mem>>
      tpu.enqueue_dma source(%arg3 : memref<128x128xf32, #tpu.memory_space<hbm>>) target(%arg7 : memref<128x128xf32, #tpu.memory_space<vmem>>) target_semaphore(%run_scoped3A : memref<!tpu.dma_semaphore, #tpu.memory_space<semaphore_mem>>)
      tpu.wait_dma2 semaphore(%run_scoped3A : memref<!tpu.dma_semaphore, #tpu.memory_space<semaphore_mem>>) src(%arg3 : memref<128x128xf32, #tpu.memory_space<hbm>>) dst(%arg7 : memref<128x128xf32, #tpu.memory_space<vmem>>)
      tpu.yield
    }) : () -> ()
    %barrier3A = arith.constant 0 : index
    tpu.barrier barrier_id(%barrier3A)
    %scan3A = arith.constant 0 : i32
    %scan3A_7 = arith.constant 0 : i32
    %scan3A_8 = arith.constant 80 : i32
    %scan3A_9 = arith.addi %scan3A_7, %scan3A_8 : i32
    %scan3A_10 = arith.constant 1 : i32
    scf.for %scan3A_23 = %scan3A_7 to %scan3A_9 step %scan3A_10  : i32 {
      %dma_start3A = arith.constant 0 : i32
      %dma_start3A_24 = tpu.memref_slice %arg6[%scan3A_23, %dma_start3A] : memref<80x128xi32, #tpu.memory_space<vmem>> -> memref<1x128xi32, #tpu.memory_space<vmem>>
      %dma_start3A_25 = tpu.memref_squeeze %dma_start3A_24 : memref<1x128xi32, #tpu.memory_space<vmem>> -> memref<128xi32, #tpu.memory_space<vmem>>
      %dma_start3A_26 = arith.constant 0 : i32
      %dma_start3A_27 = arith.constant 0 : i32
      %dma_start3A_28 = tpu.memref_slice %arg8[%dma_start3A_26, %dma_start3A_27] : memref<10240x128xf32, #tpu.memory_space<vmem_shared>> -> memref<10240x128xf32, #tpu.memory_space<vmem_shared>>
      tpu.enqueue_indirect_dma source(%arg7 : memref<128x128xf32, #tpu.memory_space<vmem>>) target(%dma_start3A_28 : memref<10240x128xf32, #tpu.memory_space<vmem_shared>>) offsets(%dma_start3A_25 : memref<128xi32, #tpu.memory_space<vmem>>) semaphore(%arg9 : memref<!tpu.dma_semaphore, #tpu.memory_space<semaphore_mem>>) {add = true}
    }
    %scan3A_11 = arith.constant 80 : i32
    %scan3A_12 = arith.constant 0 : i32
    %scan3A_13 = arith.constant 0 : i32
    %scan3A_14 = arith.constant 80 : i32
    %scan3A_15 = arith.addi %scan3A_13, %scan3A_14 : i32
    %scan3A_16 = arith.constant 1 : i32
    scf.for %scan3A_23 = %scan3A_13 to %scan3A_15 step %scan3A_16  : i32 {
      %dma_wait3A = arith.constant 0 : i32
      %dma_wait3A_24 = tpu.memref_slice %arg6[%scan3A_23, %dma_wait3A] : memref<80x128xi32, #tpu.memory_space<vmem>> -> memref<1x128xi32, #tpu.memory_space<vmem>>
      %dma_wait3A_25 = tpu.memref_squeeze %dma_wait3A_24 : memref<1x128xi32, #tpu.memory_space<vmem>> -> memref<128xi32, #tpu.memory_space<vmem>>
      %dma_wait3A_26 = arith.constant 0 : i32
      %dma_wait3A_27 = arith.constant 0 : i32
      %dma_wait3A_28 = tpu.memref_slice %arg8[%dma_wait3A_26, %dma_wait3A_27] : memref<10240x128xf32, #tpu.memory_space<vmem_shared>> -> memref<10240x128xf32, #tpu.memory_space<vmem_shared>>
      tpu.wait_indirect_dma semaphore(%arg9 : memref<!tpu.dma_semaphore, #tpu.memory_space<semaphore_mem>>) src(%arg7 : memref<128x128xf32, #tpu.memory_space<vmem>>) dst(%dma_wait3A_28 : memref<10240x128xf32, #tpu.memory_space<vmem_shared>>)
    }
    %scan3A_17 = arith.constant 80 : i32
    %barrier3A_18 = arith.constant 0 : index
    tpu.barrier barrier_id(%barrier3A_18)
    %mul3A_19 = arith.constant 640 : i32
    %mul3A_20 = arith.muli %arg1, %mul3A_19 : i32
    %mul3A_21 = arith.constant 640 : i32
    %mul3A_22 = arith.muli %arg1, %mul3A_21 : i32
    "tpu.region"() ({
      %run_scoped3A = tpu.sem_alloc : memref<!tpu.dma_semaphore, #tpu.memory_space<semaphore_mem>>
      %dma_start3A = arith.constant 0 : i32
      %dma_start3A_23 = tpu.memref_slice %arg5[%arg0, %mul3A_22, %dma_start3A] : memref<2x10240x128xf32, #tpu.memory_space<hbm>> -> memref<1x640x128xf32, #tpu.memory_space<hbm>>
      %dma_start3A_24 = tpu.memref_squeeze %dma_start3A_23 : memref<1x640x128xf32, #tpu.memory_space<hbm>> -> memref<640x128xf32, #tpu.memory_space<hbm>>
      %dma_start3A_25 = arith.constant 0 : i32
      %dma_start3A_26 = tpu.memref_slice %arg8[%mul3A_20, %dma_start3A_25] : memref<10240x128xf32, #tpu.memory_space<vmem_shared>> -> memref<640x128xf32, #tpu.memory_space<vmem_shared>>
      tpu.enqueue_dma source(%dma_start3A_26 : memref<640x128xf32, #tpu.memory_space<vmem_shared>>) target(%dma_start3A_24 : memref<640x128xf32, #tpu.memory_space<hbm>>) target_semaphore(%run_scoped3A : memref<!tpu.dma_semaphore, #tpu.memory_space<semaphore_mem>>)
      %dma_wait3A = arith.constant 0 : i32
      %dma_wait3A_27 = tpu.memref_slice %arg5[%arg0, %mul3A_22, %dma_wait3A] : memref<2x10240x128xf32, #tpu.memory_space<hbm>> -> memref<1x640x128xf32, #tpu.memory_space<hbm>>
      %dma_wait3A_28 = tpu.memref_squeeze %dma_wait3A_27 : memref<1x640x128xf32, #tpu.memory_space<hbm>> -> memref<640x128xf32, #tpu.memory_space<hbm>>
      %dma_wait3A_29 = arith.constant 0 : i32
      %dma_wait3A_30 = tpu.memref_slice %arg8[%mul3A_20, %dma_wait3A_29] : memref<10240x128xf32, #tpu.memory_space<vmem_shared>> -> memref<640x128xf32, #tpu.memory_space<vmem_shared>>
      tpu.wait_dma2 semaphore(%run_scoped3A : memref<!tpu.dma_semaphore, #tpu.memory_space<semaphore_mem>>) src(%dma_wait3A_30 : memref<640x128xf32, #tpu.memory_space<vmem_shared>>) dst(%dma_wait3A_28 : memref<640x128xf32, #tpu.memory_space<hbm>>)
      tpu.yield
    }) : () -> ()
    return
  }
}

#map = affine_map<(d0, d1) -> (0, 0)>
#map1 = affine_map<(d0, d1) -> (0, 0, 0)>
module attributes {stable_mosaic.version = 14 : i64} {
  func.func @conv_kernel(%arg0: i32, %arg1: i32, %arg2: memref<10000x128xf32, #tpu.memory_space<hbm>>, %arg3: memref<2560x128xi32, #tpu.memory_space<hbm>>, %arg4: memref<2560x128xi32, #tpu.memory_space<hbm>>, %arg5: memref<10240x128xf32, #tpu.memory_space<hbm>>, %arg6: memref<2x10240x128xf32, #tpu.memory_space<hbm>>, %arg7: memref<16x128xi32, #tpu.memory_space<vmem>>, %arg8: memref<16x128xi32, #tpu.memory_space<vmem>>, %arg9: memref<2x128x128xf32, #tpu.memory_space<vmem>>, %arg10: memref<10240x128xf32, #tpu.memory_space<vmem_shared>>, %arg11: memref<!tpu.dma_semaphore, #tpu.memory_space<semaphore_mem>>, %arg12: memref<!tpu.dma_semaphore, #tpu.memory_space<semaphore_mem>>) attributes {dimension_semantics = [#tpu.dimension_semantics<core_parallel>, #tpu.dimension_semantics<subcore_parallel>], iteration_bounds = array<i64: 2, 16>, scalar_prefetch = 0 : i64, scratch_operands = 6 : i64, tpu.core_type = #tpu.core_type<sc_vector_subcore>, window_params = [{transform_indices = #map}, {transform_indices = #map}, {transform_indices = #map}, {transform_indices = #map}, {transform_indices = #map1}]} {
    %mul3A = arith.constant 16 : i32
    %mul3A_0 = arith.muli %arg0, %mul3A : i32
    %add3A = arith.addi %mul3A_0, %arg1 : i32
    %mul3A_1 = arith.constant 640 : i32
    %mul3A_2 = arith.muli %arg1, %mul3A_1 : i32
    %mul3A_3 = arith.constant 640 : i32
    %mul3A_4 = arith.muli %arg1, %mul3A_3 : i32
    "tpu.region"() ({
      %run_scoped3A = tpu.sem_alloc : memref<!tpu.dma_semaphore, #tpu.memory_space<semaphore_mem>>
      %dma_start3A = arith.constant 0 : i32
      %dma_start3A_15 = tpu.memref_slice %arg10[%mul3A_4, %dma_start3A] : memref<10240x128xf32, #tpu.memory_space<vmem_shared>> -> memref<640x128xf32, #tpu.memory_space<vmem_shared>>
      %dma_start3A_16 = arith.constant 0 : i32
      %dma_start3A_17 = tpu.memref_slice %arg5[%mul3A_2, %dma_start3A_16] : memref<10240x128xf32, #tpu.memory_space<hbm>> -> memref<640x128xf32, #tpu.memory_space<hbm>>
      tpu.enqueue_dma source(%dma_start3A_17 : memref<640x128xf32, #tpu.memory_space<hbm>>) target(%dma_start3A_15 : memref<640x128xf32, #tpu.memory_space<vmem_shared>>) target_semaphore(%run_scoped3A : memref<!tpu.dma_semaphore, #tpu.memory_space<semaphore_mem>>)
      %dma_wait3A = arith.constant 0 : i32
      %dma_wait3A_18 = tpu.memref_slice %arg10[%mul3A_4, %dma_wait3A] : memref<10240x128xf32, #tpu.memory_space<vmem_shared>> -> memref<640x128xf32, #tpu.memory_space<vmem_shared>>
      %dma_wait3A_19 = arith.constant 0 : i32
      %dma_wait3A_20 = tpu.memref_slice %arg5[%mul3A_2, %dma_wait3A_19] : memref<10240x128xf32, #tpu.memory_space<hbm>> -> memref<640x128xf32, #tpu.memory_space<hbm>>
      tpu.wait_dma2 semaphore(%run_scoped3A : memref<!tpu.dma_semaphore, #tpu.memory_space<semaphore_mem>>) src(%dma_wait3A_20 : memref<640x128xf32, #tpu.memory_space<hbm>>) dst(%dma_wait3A_18 : memref<640x128xf32, #tpu.memory_space<vmem_shared>>)
      tpu.yield
    }) : () -> ()
    %barrier3A = arith.constant 0 : index
    tpu.barrier barrier_id(%barrier3A)
    %scan3A = arith.constant 0 : i32
    %scan3A_5 = arith.constant 0 : i32
    %scan3A_6 = arith.constant 5 : i32
    %scan3A_7 = arith.addi %scan3A_5, %scan3A_6 : i32
    %scan3A_8 = arith.constant 1 : i32
    scf.for %scan3A_15 = %scan3A_5 to %scan3A_7 step %scan3A_8  : i32 {
      %mul3A_16 = arith.constant 80 : i32
      %mul3A_17 = arith.muli %add3A, %mul3A_16 : i32
      %mul3A_18 = arith.constant 16 : i32
      %mul3A_19 = arith.muli %scan3A_15, %mul3A_18 : i32
      %add3A_20 = arith.addi %mul3A_17, %mul3A_19 : i32
      "tpu.region"() ({
        %run_scoped3A = tpu.sem_alloc : memref<!tpu.dma_semaphore, #tpu.memory_space<semaphore_mem>>
        %dma_start3A_49 = arith.constant 0 : i32
        %dma_start3A_50 = tpu.memref_slice %arg3[%add3A_20, %dma_start3A_49] : memref<2560x128xi32, #tpu.memory_space<hbm>> -> memref<16x128xi32, #tpu.memory_space<hbm>>
        %dma_start3A_51 = arith.constant 0 : i32
        %dma_start3A_52 = tpu.memref_slice %arg3[%add3A_20, %dma_start3A_51] : memref<2560x128xi32, #tpu.memory_space<hbm>> -> memref<16x128xi32, #tpu.memory_space<hbm>>
        tpu.enqueue_dma source(%dma_start3A_52 : memref<16x128xi32, #tpu.memory_space<hbm>>) target(%arg7 : memref<16x128xi32, #tpu.memory_space<vmem>>) target_semaphore(%run_scoped3A : memref<!tpu.dma_semaphore, #tpu.memory_space<semaphore_mem>>)
        %dma_wait3A_53 = arith.constant 0 : i32
        %dma_wait3A_54 = tpu.memref_slice %arg3[%add3A_20, %dma_wait3A_53] : memref<2560x128xi32, #tpu.memory_space<hbm>> -> memref<16x128xi32, #tpu.memory_space<hbm>>
        %dma_wait3A_55 = arith.constant 0 : i32
        %dma_wait3A_56 = tpu.memref_slice %arg3[%add3A_20, %dma_wait3A_55] : memref<2560x128xi32, #tpu.memory_space<hbm>> -> memref<16x128xi32, #tpu.memory_space<hbm>>
        tpu.wait_dma2 semaphore(%run_scoped3A : memref<!tpu.dma_semaphore, #tpu.memory_space<semaphore_mem>>) src(%dma_wait3A_56 : memref<16x128xi32, #tpu.memory_space<hbm>>) dst(%arg7 : memref<16x128xi32, #tpu.memory_space<vmem>>)
        tpu.yield
      }) : () -> ()
      "tpu.region"() ({
        %run_scoped3A = tpu.sem_alloc : memref<!tpu.dma_semaphore, #tpu.memory_space<semaphore_mem>>
        %dma_start3A_49 = arith.constant 0 : i32
        %dma_start3A_50 = tpu.memref_slice %arg4[%add3A_20, %dma_start3A_49] : memref<2560x128xi32, #tpu.memory_space<hbm>> -> memref<16x128xi32, #tpu.memory_space<hbm>>
        %dma_start3A_51 = arith.constant 0 : i32
        %dma_start3A_52 = tpu.memref_slice %arg4[%add3A_20, %dma_start3A_51] : memref<2560x128xi32, #tpu.memory_space<hbm>> -> memref<16x128xi32, #tpu.memory_space<hbm>>
        tpu.enqueue_dma source(%dma_start3A_52 : memref<16x128xi32, #tpu.memory_space<hbm>>) target(%arg8 : memref<16x128xi32, #tpu.memory_space<vmem>>) target_semaphore(%run_scoped3A : memref<!tpu.dma_semaphore, #tpu.memory_space<semaphore_mem>>)
        %dma_wait3A_53 = arith.constant 0 : i32
        %dma_wait3A_54 = tpu.memref_slice %arg4[%add3A_20, %dma_wait3A_53] : memref<2560x128xi32, #tpu.memory_space<hbm>> -> memref<16x128xi32, #tpu.memory_space<hbm>>
        %dma_wait3A_55 = arith.constant 0 : i32
        %dma_wait3A_56 = tpu.memref_slice %arg4[%add3A_20, %dma_wait3A_55] : memref<2560x128xi32, #tpu.memory_space<hbm>> -> memref<16x128xi32, #tpu.memory_space<hbm>>
        tpu.wait_dma2 semaphore(%run_scoped3A : memref<!tpu.dma_semaphore, #tpu.memory_space<semaphore_mem>>) src(%dma_wait3A_56 : memref<16x128xi32, #tpu.memory_space<hbm>>) dst(%arg8 : memref<16x128xi32, #tpu.memory_space<vmem>>)
        tpu.yield
      }) : () -> ()
      %dma_start3A = arith.constant 0 : i32
      %dma_start3A_21 = arith.constant 0 : i32
      %dma_start3A_22 = arith.constant 0 : i32
      %dma_start3A_23 = arith.constant 0 : i32
      %dma_start3A_24 = tpu.memref_slice %arg9[%dma_start3A_21, %dma_start3A_22, %dma_start3A_23] : memref<2x128x128xf32, #tpu.memory_space<vmem>> -> memref<1x128x128xf32, #tpu.memory_space<vmem>>
      %dma_start3A_25 = tpu.memref_squeeze %dma_start3A_24 : memref<1x128x128xf32, #tpu.memory_space<vmem>> -> memref<128x128xf32, #tpu.memory_space<vmem>>
      %dma_start3A_26 = arith.constant 0 : i32
      %dma_start3A_27 = tpu.memref_slice %arg7[%dma_start3A, %dma_start3A_26] : memref<16x128xi32, #tpu.memory_space<vmem>> -> memref<1x128xi32, #tpu.memory_space<vmem>>
      %dma_start3A_28 = tpu.memref_squeeze %dma_start3A_27 : memref<1x128xi32, #tpu.memory_space<vmem>> -> memref<128xi32, #tpu.memory_space<vmem>>
      %dma_start3A_29 = arith.constant 0 : i32
      %dma_start3A_30 = arith.constant 0 : i32
      %dma_start3A_31 = tpu.memref_slice %arg2[%dma_start3A_29, %dma_start3A_30] : memref<10000x128xf32, #tpu.memory_space<hbm>> -> memref<10000x128xf32, #tpu.memory_space<hbm>>
      tpu.enqueue_indirect_dma source(%dma_start3A_31 : memref<10000x128xf32, #tpu.memory_space<hbm>>) target(%dma_start3A_25 : memref<128x128xf32, #tpu.memory_space<vmem>>) offsets(%dma_start3A_28 : memref<128xi32, #tpu.memory_space<vmem>>) semaphore(%arg11 : memref<!tpu.dma_semaphore, #tpu.memory_space<semaphore_mem>>)
      %scan3A_32 = arith.constant 0 : i32
      %scan3A_33 = arith.constant 0 : i32
      %scan3A_34 = arith.constant 16 : i32
      %scan3A_35 = arith.addi %scan3A_33, %scan3A_34 : i32
      %scan3A_36 = arith.constant 1 : i32
      scf.for %scan3A_49 = %scan3A_33 to %scan3A_35 step %scan3A_36  : i32 {
        %jit3A = arith.constant 2 : i32
        %eq3A = arith.constant 0 : i32
        %eq3A_50 = arith.cmpi eq, %jit3A, %eq3A : i32
        %jit3A_51 = arith.constant 1 : i32
        %select_n3A = arith.select %eq3A_50, %jit3A_51, %jit3A : i32
        %rem3A = arith.remsi %scan3A_49, %select_n3A : i32
        %ne3A = arith.constant 0 : i32
        %ne3A_52 = arith.cmpi ne, %rem3A, %ne3A : i32
        %lt3A = arith.constant 0 : i32
        %lt3A_53 = arith.cmpi slt, %rem3A, %lt3A : i32
        %lt3A_54 = arith.constant 0 : i32
        %lt3A_55 = arith.cmpi slt, %select_n3A, %lt3A_54 : i32
        %ne3A_56 = arith.xori %lt3A_53, %lt3A_55 : i1
        %and3A = arith.andi %ne3A_56, %ne3A_52 : i1
        %add3A_57 = arith.addi %rem3A, %select_n3A : i32
        %select_n3A_58 = arith.select %and3A, %add3A_57, %rem3A : i32
        %dma_wait3A_59 = arith.constant 0 : i32
        %dma_wait3A_60 = arith.constant 0 : i32
        %dma_wait3A_61 = tpu.memref_slice %arg9[%select_n3A_58, %dma_wait3A_59, %dma_wait3A_60] : memref<2x128x128xf32, #tpu.memory_space<vmem>> -> memref<1x128x128xf32, #tpu.memory_space<vmem>>
        %dma_wait3A_62 = tpu.memref_squeeze %dma_wait3A_61 : memref<1x128x128xf32, #tpu.memory_space<vmem>> -> memref<128x128xf32, #tpu.memory_space<vmem>>
        %dma_wait3A_63 = arith.constant 0 : i32
        %dma_wait3A_64 = tpu.memref_slice %arg7[%scan3A_49, %dma_wait3A_63] : memref<16x128xi32, #tpu.memory_space<vmem>> -> memref<1x128xi32, #tpu.memory_space<vmem>>
        %dma_wait3A_65 = tpu.memref_squeeze %dma_wait3A_64 : memref<1x128xi32, #tpu.memory_space<vmem>> -> memref<128xi32, #tpu.memory_space<vmem>>
        %dma_wait3A_66 = arith.constant 0 : i32
        %dma_wait3A_67 = arith.constant 0 : i32
        %dma_wait3A_68 = tpu.memref_slice %arg2[%dma_wait3A_66, %dma_wait3A_67] : memref<10000x128xf32, #tpu.memory_space<hbm>> -> memref<10000x128xf32, #tpu.memory_space<hbm>>
        tpu.wait_indirect_dma semaphore(%arg11 : memref<!tpu.dma_semaphore, #tpu.memory_space<semaphore_mem>>) src(%dma_wait3A_68 : memref<10000x128xf32, #tpu.memory_space<hbm>>) dst(%dma_wait3A_62 : memref<128x128xf32, #tpu.memory_space<vmem>>)
        %jit3A_69 = arith.constant 2 : i32
        %eq3A_70 = arith.constant 0 : i32
        %eq3A_71 = arith.cmpi eq, %jit3A_69, %eq3A_70 : i32
        %jit3A_72 = arith.constant 1 : i32
        %select_n3A_73 = arith.select %eq3A_71, %jit3A_72, %jit3A_69 : i32
        %rem3A_74 = arith.remsi %scan3A_49, %select_n3A_73 : i32
        %ne3A_75 = arith.constant 0 : i32
        %ne3A_76 = arith.cmpi ne, %rem3A_74, %ne3A_75 : i32
        %lt3A_77 = arith.constant 0 : i32
        %lt3A_78 = arith.cmpi slt, %rem3A_74, %lt3A_77 : i32
        %lt3A_79 = arith.constant 0 : i32
        %lt3A_80 = arith.cmpi slt, %select_n3A_73, %lt3A_79 : i32
        %ne3A_81 = arith.xori %lt3A_78, %lt3A_80 : i1
        %and3A_82 = arith.andi %ne3A_81, %ne3A_76 : i1
        %add3A_83 = arith.addi %rem3A_74, %select_n3A_73 : i32
        %select_n3A_84 = arith.select %and3A_82, %add3A_83, %rem3A_74 : i32
        %dma_start3A_85 = arith.constant 0 : i32
        %dma_start3A_86 = arith.constant 0 : i32
        %dma_start3A_87 = tpu.memref_slice %arg9[%select_n3A_84, %dma_start3A_85, %dma_start3A_86] : memref<2x128x128xf32, #tpu.memory_space<vmem>> -> memref<1x128x128xf32, #tpu.memory_space<vmem>>
        %dma_start3A_88 = tpu.memref_squeeze %dma_start3A_87 : memref<1x128x128xf32, #tpu.memory_space<vmem>> -> memref<128x128xf32, #tpu.memory_space<vmem>>
        %dma_start3A_89 = arith.constant 0 : i32
        %dma_start3A_90 = tpu.memref_slice %arg8[%scan3A_49, %dma_start3A_89] : memref<16x128xi32, #tpu.memory_space<vmem>> -> memref<1x128xi32, #tpu.memory_space<vmem>>
        %dma_start3A_91 = tpu.memref_squeeze %dma_start3A_90 : memref<1x128xi32, #tpu.memory_space<vmem>> -> memref<128xi32, #tpu.memory_space<vmem>>
        %dma_start3A_92 = arith.constant 0 : i32
        %dma_start3A_93 = arith.constant 0 : i32
        %dma_start3A_94 = tpu.memref_slice %arg10[%dma_start3A_92, %dma_start3A_93] : memref<10240x128xf32, #tpu.memory_space<vmem_shared>> -> memref<10240x128xf32, #tpu.memory_space<vmem_shared>>
        tpu.enqueue_indirect_dma source(%dma_start3A_88 : memref<128x128xf32, #tpu.memory_space<vmem>>) target(%dma_start3A_94 : memref<10240x128xf32, #tpu.memory_space<vmem_shared>>) offsets(%dma_start3A_91 : memref<128xi32, #tpu.memory_space<vmem>>) semaphore(%arg12 : memref<!tpu.dma_semaphore, #tpu.memory_space<semaphore_mem>>) {add = true}
        %ge3A = arith.constant 1 : i32
        %ge3A_95 = arith.cmpi sge, %scan3A_49, %ge3A : i32
        %convert_element_type3A = arith.extui %ge3A_95 : i1 to i32
        %cond3A = arith.constant 0 : i32
        %cond3A_96 = arith.cmpi ne, %convert_element_type3A, %cond3A : i32
        scf.if %cond3A_96 {
          %add3A_104 = arith.constant 1 : i32
          %add3A_105 = arith.addi %scan3A_49, %add3A_104 : i32
          %jit3A_106 = arith.constant 2 : i32
          %eq3A_107 = arith.constant 0 : i32
          %eq3A_108 = arith.cmpi eq, %jit3A_106, %eq3A_107 : i32
          %jit3A_109 = arith.constant 1 : i32
          %select_n3A_110 = arith.select %eq3A_108, %jit3A_109, %jit3A_106 : i32
          %rem3A_111 = arith.remsi %add3A_105, %select_n3A_110 : i32
          %ne3A_112 = arith.constant 0 : i32
          %ne3A_113 = arith.cmpi ne, %rem3A_111, %ne3A_112 : i32
          %lt3A_114 = arith.constant 0 : i32
          %lt3A_115 = arith.cmpi slt, %rem3A_111, %lt3A_114 : i32
          %lt3A_116 = arith.constant 0 : i32
          %lt3A_117 = arith.cmpi slt, %select_n3A_110, %lt3A_116 : i32
          %ne3A_118 = arith.xori %lt3A_115, %lt3A_117 : i1
          %and3A_119 = arith.andi %ne3A_118, %ne3A_113 : i1
          %add3A_120 = arith.addi %rem3A_111, %select_n3A_110 : i32
          %select_n3A_121 = arith.select %and3A_119, %add3A_120, %rem3A_111 : i32
          %dma_wait3A_122 = arith.constant 0 : i32
          %dma_wait3A_123 = arith.constant 0 : i32
          %dma_wait3A_124 = tpu.memref_slice %arg9[%select_n3A_121, %dma_wait3A_122, %dma_wait3A_123] : memref<2x128x128xf32, #tpu.memory_space<vmem>> -> memref<1x128x128xf32, #tpu.memory_space<vmem>>
          %dma_wait3A_125 = tpu.memref_squeeze %dma_wait3A_124 : memref<1x128x128xf32, #tpu.memory_space<vmem>> -> memref<128x128xf32, #tpu.memory_space<vmem>>
          %dma_wait3A_126 = arith.constant 0 : i32
          %dma_wait3A_127 = tpu.memref_slice %arg8[%scan3A_49, %dma_wait3A_126] : memref<16x128xi32, #tpu.memory_space<vmem>> -> memref<1x128xi32, #tpu.memory_space<vmem>>
          %dma_wait3A_128 = tpu.memref_squeeze %dma_wait3A_127 : memref<1x128xi32, #tpu.memory_space<vmem>> -> memref<128xi32, #tpu.memory_space<vmem>>
          %dma_wait3A_129 = arith.constant 0 : i32
          %dma_wait3A_130 = arith.constant 0 : i32
          %dma_wait3A_131 = tpu.memref_slice %arg10[%dma_wait3A_129, %dma_wait3A_130] : memref<10240x128xf32, #tpu.memory_space<vmem_shared>> -> memref<10240x128xf32, #tpu.memory_space<vmem_shared>>
          tpu.wait_indirect_dma semaphore(%arg12 : memref<!tpu.dma_semaphore, #tpu.memory_space<semaphore_mem>>) src(%dma_wait3A_125 : memref<128x128xf32, #tpu.memory_space<vmem>>) dst(%dma_wait3A_131 : memref<10240x128xf32, #tpu.memory_space<vmem_shared>>)
        } else {
        }
        %add3A_97 = arith.constant 1 : i32
        %add3A_98 = arith.addi %scan3A_49, %add3A_97 : i32
        %lt3A_99 = arith.constant 16 : i32
        %lt3A_100 = arith.cmpi slt, %add3A_98, %lt3A_99 : i32
        %convert_element_type3A_101 = arith.extui %lt3A_100 : i1 to i32
        %cond3A_102 = arith.constant 0 : i32
        %cond3A_103 = arith.cmpi ne, %convert_element_type3A_101, %cond3A_102 : i32
        scf.if %cond3A_103 {
          %add3A_104 = arith.constant 1 : i32
          %add3A_105 = arith.addi %scan3A_49, %add3A_104 : i32
          %add3A_106 = arith.constant 1 : i32
          %add3A_107 = arith.addi %scan3A_49, %add3A_106 : i32
          %jit3A_108 = arith.constant 2 : i32
          %eq3A_109 = arith.constant 0 : i32
          %eq3A_110 = arith.cmpi eq, %jit3A_108, %eq3A_109 : i32
          %jit3A_111 = arith.constant 1 : i32
          %select_n3A_112 = arith.select %eq3A_110, %jit3A_111, %jit3A_108 : i32
          %rem3A_113 = arith.remsi %add3A_107, %select_n3A_112 : i32
          %ne3A_114 = arith.constant 0 : i32
          %ne3A_115 = arith.cmpi ne, %rem3A_113, %ne3A_114 : i32
          %lt3A_116 = arith.constant 0 : i32
          %lt3A_117 = arith.cmpi slt, %rem3A_113, %lt3A_116 : i32
          %lt3A_118 = arith.constant 0 : i32
          %lt3A_119 = arith.cmpi slt, %select_n3A_112, %lt3A_118 : i32
          %ne3A_120 = arith.xori %lt3A_117, %lt3A_119 : i1
          %and3A_121 = arith.andi %ne3A_120, %ne3A_115 : i1
          %add3A_122 = arith.addi %rem3A_113, %select_n3A_112 : i32
          %select_n3A_123 = arith.select %and3A_121, %add3A_122, %rem3A_113 : i32
          %dma_start3A_124 = arith.constant 0 : i32
          %dma_start3A_125 = arith.constant 0 : i32
          %dma_start3A_126 = tpu.memref_slice %arg9[%select_n3A_123, %dma_start3A_124, %dma_start3A_125] : memref<2x128x128xf32, #tpu.memory_space<vmem>> -> memref<1x128x128xf32, #tpu.memory_space<vmem>>
          %dma_start3A_127 = tpu.memref_squeeze %dma_start3A_126 : memref<1x128x128xf32, #tpu.memory_space<vmem>> -> memref<128x128xf32, #tpu.memory_space<vmem>>
          %dma_start3A_128 = arith.constant 0 : i32
          %dma_start3A_129 = tpu.memref_slice %arg7[%add3A_105, %dma_start3A_128] : memref<16x128xi32, #tpu.memory_space<vmem>> -> memref<1x128xi32, #tpu.memory_space<vmem>>
          %dma_start3A_130 = tpu.memref_squeeze %dma_start3A_129 : memref<1x128xi32, #tpu.memory_space<vmem>> -> memref<128xi32, #tpu.memory_space<vmem>>
          %dma_start3A_131 = arith.constant 0 : i32
          %dma_start3A_132 = arith.constant 0 : i32
          %dma_start3A_133 = tpu.memref_slice %arg2[%dma_start3A_131, %dma_start3A_132] : memref<10000x128xf32, #tpu.memory_space<hbm>> -> memref<10000x128xf32, #tpu.memory_space<hbm>>
          tpu.enqueue_indirect_dma source(%dma_start3A_133 : memref<10000x128xf32, #tpu.memory_space<hbm>>) target(%dma_start3A_127 : memref<128x128xf32, #tpu.memory_space<vmem>>) offsets(%dma_start3A_130 : memref<128xi32, #tpu.memory_space<vmem>>) semaphore(%arg11 : memref<!tpu.dma_semaphore, #tpu.memory_space<semaphore_mem>>)
        } else {
        }
      }
      %scan3A_37 = arith.constant 16 : i32
      %dma_wait3A = arith.constant 0 : i32
      %dma_wait3A_38 = arith.constant 0 : i32
      %dma_wait3A_39 = arith.constant 0 : i32
      %dma_wait3A_40 = arith.constant 0 : i32
      %dma_wait3A_41 = tpu.memref_slice %arg9[%dma_wait3A, %dma_wait3A_39, %dma_wait3A_40] : memref<2x128x128xf32, #tpu.memory_space<vmem>> -> memref<1x128x128xf32, #tpu.memory_space<vmem>>
      %dma_wait3A_42 = tpu.memref_squeeze %dma_wait3A_41 : memref<1x128x128xf32, #tpu.memory_space<vmem>> -> memref<128x128xf32, #tpu.memory_space<vmem>>
      %dma_wait3A_43 = arith.constant 0 : i32
      %dma_wait3A_44 = tpu.memref_slice %arg8[%dma_wait3A_38, %dma_wait3A_43] : memref<16x128xi32, #tpu.memory_space<vmem>> -> memref<1x128xi32, #tpu.memory_space<vmem>>
      %dma_wait3A_45 = tpu.memref_squeeze %dma_wait3A_44 : memref<1x128xi32, #tpu.memory_space<vmem>> -> memref<128xi32, #tpu.memory_space<vmem>>
      %dma_wait3A_46 = arith.constant 0 : i32
      %dma_wait3A_47 = arith.constant 0 : i32
      %dma_wait3A_48 = tpu.memref_slice %arg10[%dma_wait3A_46, %dma_wait3A_47] : memref<10240x128xf32, #tpu.memory_space<vmem_shared>> -> memref<10240x128xf32, #tpu.memory_space<vmem_shared>>
      tpu.wait_indirect_dma semaphore(%arg12 : memref<!tpu.dma_semaphore, #tpu.memory_space<semaphore_mem>>) src(%dma_wait3A_42 : memref<128x128xf32, #tpu.memory_space<vmem>>) dst(%dma_wait3A_48 : memref<10240x128xf32, #tpu.memory_space<vmem_shared>>)
    }
    %scan3A_9 = arith.constant 5 : i32
    %barrier3A_10 = arith.constant 0 : index
    tpu.barrier barrier_id(%barrier3A_10)
    %mul3A_11 = arith.constant 640 : i32
    %mul3A_12 = arith.muli %arg1, %mul3A_11 : i32
    %mul3A_13 = arith.constant 640 : i32
    %mul3A_14 = arith.muli %arg1, %mul3A_13 : i32
    "tpu.region"() ({
      %run_scoped3A = tpu.sem_alloc : memref<!tpu.dma_semaphore, #tpu.memory_space<semaphore_mem>>
      %dma_start3A = arith.constant 0 : i32
      %dma_start3A_15 = tpu.memref_slice %arg6[%arg0, %mul3A_14, %dma_start3A] : memref<2x10240x128xf32, #tpu.memory_space<hbm>> -> memref<1x640x128xf32, #tpu.memory_space<hbm>>
      %dma_start3A_16 = tpu.memref_squeeze %dma_start3A_15 : memref<1x640x128xf32, #tpu.memory_space<hbm>> -> memref<640x128xf32, #tpu.memory_space<hbm>>
      %dma_start3A_17 = arith.constant 0 : i32
      %dma_start3A_18 = tpu.memref_slice %arg10[%mul3A_12, %dma_start3A_17] : memref<10240x128xf32, #tpu.memory_space<vmem_shared>> -> memref<640x128xf32, #tpu.memory_space<vmem_shared>>
      tpu.enqueue_dma source(%dma_start3A_18 : memref<640x128xf32, #tpu.memory_space<vmem_shared>>) target(%dma_start3A_16 : memref<640x128xf32, #tpu.memory_space<hbm>>) target_semaphore(%run_scoped3A : memref<!tpu.dma_semaphore, #tpu.memory_space<semaphore_mem>>)
      %dma_wait3A = arith.constant 0 : i32
      %dma_wait3A_19 = tpu.memref_slice %arg6[%arg0, %mul3A_14, %dma_wait3A] : memref<2x10240x128xf32, #tpu.memory_space<hbm>> -> memref<1x640x128xf32, #tpu.memory_space<hbm>>
      %dma_wait3A_20 = tpu.memref_squeeze %dma_wait3A_19 : memref<1x640x128xf32, #tpu.memory_space<hbm>> -> memref<640x128xf32, #tpu.memory_space<hbm>>
      %dma_wait3A_21 = arith.constant 0 : i32
      %dma_wait3A_22 = tpu.memref_slice %arg10[%mul3A_12, %dma_wait3A_21] : memref<10240x128xf32, #tpu.memory_space<vmem_shared>> -> memref<640x128xf32, #tpu.memory_space<vmem_shared>>
      tpu.wait_dma2 semaphore(%run_scoped3A : memref<!tpu.dma_semaphore, #tpu.memory_space<semaphore_mem>>) src(%dma_wait3A_22 : memref<640x128xf32, #tpu.memory_space<vmem_shared>>) dst(%dma_wait3A_20 : memref<640x128xf32, #tpu.memory_space<hbm>>)
      tpu.yield
    }) : () -> ()
    return
  }
}

#map = affine_map<(d0, d1) -> (0, 0)>
#map1 = affine_map<(d0, d1) -> (0, 0, 0)>
module attributes {stable_mosaic.version = 14 : i64} {
  func.func @deg_kernel(%arg0: i32, %arg1: i32, %arg2: memref<2560x128xi32, #tpu.memory_space<hbm>>, %arg3: memref<128x128xf32, #tpu.memory_space<hbm>>, %arg4: memref<10240x128xf32, #tpu.memory_space<hbm>>, %arg5: memref<2x10240x128xf32, #tpu.memory_space<hbm>>, %arg6: memref<80x128xi32, #tpu.memory_space<vmem>>, %arg7: memref<128x128xf32, #tpu.memory_space<vmem>>, %arg8: memref<10240x128xf32, #tpu.memory_space<vmem_shared>>, %arg9: memref<!tpu.dma_semaphore, #tpu.memory_space<semaphore_mem>>) attributes {dimension_semantics = [#tpu.dimension_semantics<core_parallel>, #tpu.dimension_semantics<subcore_parallel>], iteration_bounds = array<i64: 2, 16>, scalar_prefetch = 0 : i64, scratch_operands = 4 : i64, tpu.core_type = #tpu.core_type<sc_vector_subcore>, window_params = [{transform_indices = #map}, {transform_indices = #map}, {transform_indices = #map}, {transform_indices = #map1}]} {
    %mul3A = arith.constant 16 : i32
    %mul3A_0 = arith.muli %arg0, %mul3A : i32
    %add3A = arith.addi %mul3A_0, %arg1 : i32
    %mul3A_1 = arith.constant 640 : i32
    %mul3A_2 = arith.muli %arg1, %mul3A_1 : i32
    %mul3A_3 = arith.constant 640 : i32
    %mul3A_4 = arith.muli %arg1, %mul3A_3 : i32
    "tpu.region"() ({
      %run_scoped3A = tpu.sem_alloc : memref<!tpu.dma_semaphore, #tpu.memory_space<semaphore_mem>>
      %dma_start3A = arith.constant 0 : i32
      %dma_start3A_23 = tpu.memref_slice %arg8[%mul3A_4, %dma_start3A] : memref<10240x128xf32, #tpu.memory_space<vmem_shared>> -> memref<640x128xf32, #tpu.memory_space<vmem_shared>>
      %dma_start3A_24 = arith.constant 0 : i32
      %dma_start3A_25 = tpu.memref_slice %arg4[%mul3A_2, %dma_start3A_24] : memref<10240x128xf32, #tpu.memory_space<hbm>> -> memref<640x128xf32, #tpu.memory_space<hbm>>
      tpu.enqueue_dma source(%dma_start3A_25 : memref<640x128xf32, #tpu.memory_space<hbm>>) target(%dma_start3A_23 : memref<640x128xf32, #tpu.memory_space<vmem_shared>>) target_semaphore(%run_scoped3A : memref<!tpu.dma_semaphore, #tpu.memory_space<semaphore_mem>>)
      %dma_wait3A = arith.constant 0 : i32
      %dma_wait3A_26 = tpu.memref_slice %arg8[%mul3A_4, %dma_wait3A] : memref<10240x128xf32, #tpu.memory_space<vmem_shared>> -> memref<640x128xf32, #tpu.memory_space<vmem_shared>>
      %dma_wait3A_27 = arith.constant 0 : i32
      %dma_wait3A_28 = tpu.memref_slice %arg4[%mul3A_2, %dma_wait3A_27] : memref<10240x128xf32, #tpu.memory_space<hbm>> -> memref<640x128xf32, #tpu.memory_space<hbm>>
      tpu.wait_dma2 semaphore(%run_scoped3A : memref<!tpu.dma_semaphore, #tpu.memory_space<semaphore_mem>>) src(%dma_wait3A_28 : memref<640x128xf32, #tpu.memory_space<hbm>>) dst(%dma_wait3A_26 : memref<640x128xf32, #tpu.memory_space<vmem_shared>>)
      tpu.yield
    }) : () -> ()
    %mul3A_5 = arith.constant 80 : i32
    %mul3A_6 = arith.muli %add3A, %mul3A_5 : i32
    "tpu.region"() ({
      %run_scoped3A = tpu.sem_alloc : memref<!tpu.dma_semaphore, #tpu.memory_space<semaphore_mem>>
      %dma_start3A = arith.constant 0 : i32
      %dma_start3A_23 = tpu.memref_slice %arg2[%mul3A_6, %dma_start3A] : memref<2560x128xi32, #tpu.memory_space<hbm>> -> memref<80x128xi32, #tpu.memory_space<hbm>>
      %dma_start3A_24 = arith.constant 0 : i32
      %dma_start3A_25 = tpu.memref_slice %arg2[%mul3A_6, %dma_start3A_24] : memref<2560x128xi32, #tpu.memory_space<hbm>> -> memref<80x128xi32, #tpu.memory_space<hbm>>
      tpu.enqueue_dma source(%dma_start3A_25 : memref<80x128xi32, #tpu.memory_space<hbm>>) target(%arg6 : memref<80x128xi32, #tpu.memory_space<vmem>>) target_semaphore(%run_scoped3A : memref<!tpu.dma_semaphore, #tpu.memory_space<semaphore_mem>>)
      %dma_wait3A = arith.constant 0 : i32
      %dma_wait3A_26 = tpu.memref_slice %arg2[%mul3A_6, %dma_wait3A] : memref<2560x128xi32, #tpu.memory_space<hbm>> -> memref<80x128xi32, #tpu.memory_space<hbm>>
      %dma_wait3A_27 = arith.constant 0 : i32
      %dma_wait3A_28 = tpu.memref_slice %arg2[%mul3A_6, %dma_wait3A_27] : memref<2560x128xi32, #tpu.memory_space<hbm>> -> memref<80x128xi32, #tpu.memory_space<hbm>>
      tpu.wait_dma2 semaphore(%run_scoped3A : memref<!tpu.dma_semaphore, #tpu.memory_space<semaphore_mem>>) src(%dma_wait3A_28 : memref<80x128xi32, #tpu.memory_space<hbm>>) dst(%arg6 : memref<80x128xi32, #tpu.memory_space<vmem>>)
      tpu.yield
    }) : () -> ()
    "tpu.region"() ({
      %run_scoped3A = tpu.sem_alloc : memref<!tpu.dma_semaphore, #tpu.memory_space<semaphore_mem>>
      tpu.enqueue_dma source(%arg3 : memref<128x128xf32, #tpu.memory_space<hbm>>) target(%arg7 : memref<128x128xf32, #tpu.memory_space<vmem>>) target_semaphore(%run_scoped3A : memref<!tpu.dma_semaphore, #tpu.memory_space<semaphore_mem>>)
      tpu.wait_dma2 semaphore(%run_scoped3A : memref<!tpu.dma_semaphore, #tpu.memory_space<semaphore_mem>>) src(%arg3 : memref<128x128xf32, #tpu.memory_space<hbm>>) dst(%arg7 : memref<128x128xf32, #tpu.memory_space<vmem>>)
      tpu.yield
    }) : () -> ()
    %barrier3A = arith.constant 0 : index
    tpu.barrier barrier_id(%barrier3A)
    %scan3A = arith.constant 0 : i32
    %scan3A_7 = arith.constant 0 : i32
    %scan3A_8 = arith.constant 80 : i32
    %scan3A_9 = arith.addi %scan3A_7, %scan3A_8 : i32
    %scan3A_10 = arith.constant 1 : i32
    scf.for %scan3A_23 = %scan3A_7 to %scan3A_9 step %scan3A_10  : i32 {
      %dma_start3A = arith.constant 0 : i32
      %dma_start3A_24 = tpu.memref_slice %arg6[%scan3A_23, %dma_start3A] : memref<80x128xi32, #tpu.memory_space<vmem>> -> memref<1x128xi32, #tpu.memory_space<vmem>>
      %dma_start3A_25 = tpu.memref_squeeze %dma_start3A_24 : memref<1x128xi32, #tpu.memory_space<vmem>> -> memref<128xi32, #tpu.memory_space<vmem>>
      %dma_start3A_26 = arith.constant 0 : i32
      %dma_start3A_27 = arith.constant 0 : i32
      %dma_start3A_28 = tpu.memref_slice %arg8[%dma_start3A_26, %dma_start3A_27] : memref<10240x128xf32, #tpu.memory_space<vmem_shared>> -> memref<10240x128xf32, #tpu.memory_space<vmem_shared>>
      tpu.enqueue_indirect_dma source(%arg7 : memref<128x128xf32, #tpu.memory_space<vmem>>) target(%dma_start3A_28 : memref<10240x128xf32, #tpu.memory_space<vmem_shared>>) offsets(%dma_start3A_25 : memref<128xi32, #tpu.memory_space<vmem>>) semaphore(%arg9 : memref<!tpu.dma_semaphore, #tpu.memory_space<semaphore_mem>>) {add = true}
    }
    %scan3A_11 = arith.constant 80 : i32
    %scan3A_12 = arith.constant 0 : i32
    %scan3A_13 = arith.constant 0 : i32
    %scan3A_14 = arith.constant 80 : i32
    %scan3A_15 = arith.addi %scan3A_13, %scan3A_14 : i32
    %scan3A_16 = arith.constant 1 : i32
    scf.for %scan3A_23 = %scan3A_13 to %scan3A_15 step %scan3A_16  : i32 {
      %dma_wait3A = arith.constant 0 : i32
      %dma_wait3A_24 = tpu.memref_slice %arg6[%scan3A_23, %dma_wait3A] : memref<80x128xi32, #tpu.memory_space<vmem>> -> memref<1x128xi32, #tpu.memory_space<vmem>>
      %dma_wait3A_25 = tpu.memref_squeeze %dma_wait3A_24 : memref<1x128xi32, #tpu.memory_space<vmem>> -> memref<128xi32, #tpu.memory_space<vmem>>
      %dma_wait3A_26 = arith.constant 0 : i32
      %dma_wait3A_27 = arith.constant 0 : i32
      %dma_wait3A_28 = tpu.memref_slice %arg8[%dma_wait3A_26, %dma_wait3A_27] : memref<10240x128xf32, #tpu.memory_space<vmem_shared>> -> memref<10240x128xf32, #tpu.memory_space<vmem_shared>>
      tpu.wait_indirect_dma semaphore(%arg9 : memref<!tpu.dma_semaphore, #tpu.memory_space<semaphore_mem>>) src(%arg7 : memref<128x128xf32, #tpu.memory_space<vmem>>) dst(%dma_wait3A_28 : memref<10240x128xf32, #tpu.memory_space<vmem_shared>>)
    }
    %scan3A_17 = arith.constant 80 : i32
    %barrier3A_18 = arith.constant 0 : index
    tpu.barrier barrier_id(%barrier3A_18)
    %mul3A_19 = arith.constant 640 : i32
    %mul3A_20 = arith.muli %arg1, %mul3A_19 : i32
    %mul3A_21 = arith.constant 640 : i32
    %mul3A_22 = arith.muli %arg1, %mul3A_21 : i32
    "tpu.region"() ({
      %run_scoped3A = tpu.sem_alloc : memref<!tpu.dma_semaphore, #tpu.memory_space<semaphore_mem>>
      %dma_start3A = arith.constant 0 : i32
      %dma_start3A_23 = tpu.memref_slice %arg5[%arg0, %mul3A_22, %dma_start3A] : memref<2x10240x128xf32, #tpu.memory_space<hbm>> -> memref<1x640x128xf32, #tpu.memory_space<hbm>>
      %dma_start3A_24 = tpu.memref_squeeze %dma_start3A_23 : memref<1x640x128xf32, #tpu.memory_space<hbm>> -> memref<640x128xf32, #tpu.memory_space<hbm>>
      %dma_start3A_25 = arith.constant 0 : i32
      %dma_start3A_26 = tpu.memref_slice %arg8[%mul3A_20, %dma_start3A_25] : memref<10240x128xf32, #tpu.memory_space<vmem_shared>> -> memref<640x128xf32, #tpu.memory_space<vmem_shared>>
      tpu.enqueue_dma source(%dma_start3A_26 : memref<640x128xf32, #tpu.memory_space<vmem_shared>>) target(%dma_start3A_24 : memref<640x128xf32, #tpu.memory_space<hbm>>) target_semaphore(%run_scoped3A : memref<!tpu.dma_semaphore, #tpu.memory_space<semaphore_mem>>)
      %dma_wait3A = arith.constant 0 : i32
      %dma_wait3A_27 = tpu.memref_slice %arg5[%arg0, %mul3A_22, %dma_wait3A] : memref<2x10240x128xf32, #tpu.memory_space<hbm>> -> memref<1x640x128xf32, #tpu.memory_space<hbm>>
      %dma_wait3A_28 = tpu.memref_squeeze %dma_wait3A_27 : memref<1x640x128xf32, #tpu.memory_space<hbm>> -> memref<640x128xf32, #tpu.memory_space<hbm>>
      %dma_wait3A_29 = arith.constant 0 : i32
      %dma_wait3A_30 = tpu.memref_slice %arg8[%mul3A_20, %dma_wait3A_29] : memref<10240x128xf32, #tpu.memory_space<vmem_shared>> -> memref<640x128xf32, #tpu.memory_space<vmem_shared>>
      tpu.wait_dma2 semaphore(%run_scoped3A : memref<!tpu.dma_semaphore, #tpu.memory_space<semaphore_mem>>) src(%dma_wait3A_30 : memref<640x128xf32, #tpu.memory_space<vmem_shared>>) dst(%dma_wait3A_28 : memref<640x128xf32, #tpu.memory_space<hbm>>)
      tpu.yield
    }) : () -> ()
    return
  }
}

module attributes {stable_mosaic.version = 14 : i64} {
  func.func @_prep_body(%arg0: i32, %arg1: memref<2000x128xf32, #tpu.memory_space<vmem>>, %arg2: memref<128x128xf32, #tpu.memory_space<vmem>>, %arg3: memref<2x2000x128xf32, #tpu.memory_space<vmem>>, %arg4: memref<2000x128xf32, #tpu.memory_space<vmem>>) attributes {dimension_semantics = [#tpu.dimension_semantics<arbitrary>], iteration_bounds = array<i64: 5>, scalar_prefetch = 0 : i64, scratch_operands = 0 : i64, tpu.core_type = #tpu.core_type<tc>, window_params = [{transform_indices = @transform_0, window_bounds = array<i64: 2000, 128>}, {pipeline_mode = #tpu.pipeline_mode<synchronous>, transform_indices = @transform_1, window_bounds = array<i64: 128, 128>}, {transform_indices = @transform_2, window_bounds = array<i64: 2, 2000, 128>}, {transform_indices = @transform_3, window_bounds = array<i64: 2000, 128>}]} {
    %get3A = arith.constant 0 : index
    %get3A_0 = arith.constant 0 : index
    %get3A_1 = arith.constant 0 : index
    %get3A_2 = vector.load %arg3[%get3A, %get3A_0, %get3A_1] : memref<2x2000x128xf32, #tpu.memory_space<vmem>>, vector<1x2000x1xf32>
    %get3A_3 = vector.shape_cast %get3A_2 : vector<1x2000x1xf32> to vector<2000x1xf32>
    %get3A_4 = arith.constant 1 : index
    %get3A_5 = arith.constant 0 : index
    %get3A_6 = arith.constant 0 : index
    %get3A_7 = vector.load %arg3[%get3A_4, %get3A_5, %get3A_6] : memref<2x2000x128xf32, #tpu.memory_space<vmem>>, vector<1x2000x1xf32>
    %get3A_8 = vector.shape_cast %get3A_7 : vector<1x2000x1xf32> to vector<2000x1xf32>
    %add3A = arith.addf %get3A_3, %get3A_8 : vector<2000x1xf32>
    %add3A_9 = arith.constant 1.000000e+00 : f32
    %add3A_10 = vector.broadcast %add3A_9 : f32 to vector<2000x1xf32>
    %add3A_11 = arith.addf %add3A, %add3A_10 : vector<2000x1xf32>
    %rsqrt3A = math.rsqrt %add3A_11 : vector<2000x1xf32>
    %get3A_12 = arith.constant 0 : index
    %get3A_13 = arith.constant 0 : index
    %get3A_14 = vector.load %arg1[%get3A_12, %get3A_13] : memref<2000x128xf32, #tpu.memory_space<vmem>>, vector<2000x128xf32>
    %get3A_15 = arith.constant 0 : index
    %get3A_16 = arith.constant 0 : index
    %get3A_17 = vector.load %arg2[%get3A_15, %get3A_16] : memref<128x128xf32, #tpu.memory_space<vmem>>, vector<128x128xf32>
    %dot_general3A = arith.constant dense<0.000000e+00> : vector<2000x128xf32>
    %dot_general3A_18 = tpu.matmul %get3A_14, %get3A_17, %dot_general3A {dimension_numbers = #tpu.dot_dimension_numbers<[1], [0], [0], [1], [0, 0, 1, 1], [], []>, transpose_lhs_hint = false} : vector<2000x128xf32>, vector<128x128xf32>, vector<2000x128xf32> -> vector<2000x128xf32>
    %mul3A = vector.broadcast %rsqrt3A : vector<2000x1xf32> to vector<2000x128xf32>
    %mul3A_19 = arith.mulf %dot_general3A_18, %mul3A : vector<2000x128xf32>
    %swap3A = arith.constant 0 : index
    %swap3A_20 = arith.constant 0 : index
    %swap3A_21 = vector.load %arg4[%swap3A, %swap3A_20] : memref<2000x128xf32, #tpu.memory_space<vmem>>, vector<2000x128xf32>
    tpu.vector_store %arg4[%swap3A, %swap3A_20], %mul3A_19 {strides = array<i32>} : memref<2000x128xf32, #tpu.memory_space<vmem>>, vector<2000x128xf32>,
    return
  }
  func.func @transform_0(%arg0: i32) -> (i32, i32) {
    %c0_i32 = arith.constant 0 : i32
    %c0_i32_0 = arith.constant 0 : i32
    return %arg0, %c0_i32 : i32, i32
  }
  func.func @transform_1(%arg0: i32) -> (i32, i32) {
    %c0_i32 = arith.constant 0 : i32
    %c0_i32_0 = arith.constant 0 : i32
    %c0_i32_1 = arith.constant 0 : i32
    return %c0_i32, %c0_i32_0 : i32, i32
  }
  func.func @transform_2(%arg0: i32) -> (i32, i32, i32) {
    %c0_i32 = arith.constant 0 : i32
    %c0_i32_0 = arith.constant 0 : i32
    %c0_i32_1 = arith.constant 0 : i32
    return %c0_i32, %arg0, %c0_i32_0 : i32, i32, i32
  }
  func.func @transform_3(%arg0: i32) -> (i32, i32) {
    %c0_i32 = arith.constant 0 : i32
    %c0_i32_0 = arith.constant 0 : i32
    return %arg0, %c0_i32 : i32, i32
  }
}

module attributes {stable_mosaic.version = 14 : i64} {
  func.func @_mid1_body(%arg0: i32, %arg1: memref<2x2000x128xf32, #tpu.memory_space<vmem>>, %arg2: memref<2000x128xf32, #tpu.memory_space<vmem>>, %arg3: memref<128x128xf32, #tpu.memory_space<vmem>>, %arg4: memref<1x128xf32, #tpu.memory_space<vmem>>, %arg5: memref<2x2000x128xf32, #tpu.memory_space<vmem>>, %arg6: memref<2000x128xf32, #tpu.memory_space<vmem>>, %arg7: memref<2000x128xf32, #tpu.memory_space<vmem>>) attributes {dimension_semantics = [#tpu.dimension_semantics<arbitrary>], iteration_bounds = array<i64: 5>, scalar_prefetch = 0 : i64, scratch_operands = 0 : i64, tpu.core_type = #tpu.core_type<tc>, window_params = [{transform_indices = @transform_0, window_bounds = array<i64: 2, 2000, 128>}, {transform_indices = @transform_1, window_bounds = array<i64: 2000, 128>}, {pipeline_mode = #tpu.pipeline_mode<synchronous>, transform_indices = @transform_2, window_bounds = array<i64: 128, 128>}, {pipeline_mode = #tpu.pipeline_mode<synchronous>, transform_indices = @transform_3, window_bounds = array<i64: 1, 128>}, {transform_indices = @transform_4, window_bounds = array<i64: 2, 2000, 128>}, {transform_indices = @transform_5, window_bounds = array<i64: 2000, 128>}, {transform_indices = @transform_6, window_bounds = array<i64: 2000, 128>}]} {
    %get3A = arith.constant 0 : index
    %get3A_0 = arith.constant 0 : index
    %get3A_1 = arith.constant 0 : index
    %get3A_2 = vector.load %arg5[%get3A, %get3A_0, %get3A_1] : memref<2x2000x128xf32, #tpu.memory_space<vmem>>, vector<1x2000x1xf32>
    %get3A_3 = vector.shape_cast %get3A_2 : vector<1x2000x1xf32> to vector<2000x1xf32>
    %get3A_4 = arith.constant 1 : index
    %get3A_5 = arith.constant 0 : index
    %get3A_6 = arith.constant 0 : index
    %get3A_7 = vector.load %arg5[%get3A_4, %get3A_5, %get3A_6] : memref<2x2000x128xf32, #tpu.memory_space<vmem>>, vector<1x2000x1xf32>
    %get3A_8 = vector.shape_cast %get3A_7 : vector<1x2000x1xf32> to vector<2000x1xf32>
    %add3A = arith.addf %get3A_3, %get3A_8 : vector<2000x1xf32>
    %add3A_9 = arith.constant 1.000000e+00 : f32
    %add3A_10 = vector.broadcast %add3A_9 : f32 to vector<2000x1xf32>
    %add3A_11 = arith.addf %add3A, %add3A_10 : vector<2000x1xf32>
    %rsqrt3A = math.rsqrt %add3A_11 : vector<2000x1xf32>
    %get3A_12 = arith.constant 0 : index
    %get3A_13 = arith.constant 0 : index
    %get3A_14 = arith.constant 0 : index
    %get3A_15 = vector.load %arg1[%get3A_12, %get3A_13, %get3A_14] : memref<2x2000x128xf32, #tpu.memory_space<vmem>>, vector<1x2000x128xf32>
    %get3A_16 = vector.shape_cast %get3A_15 : vector<1x2000x128xf32> to vector<2000x128xf32>
    %get3A_17 = arith.constant 1 : index
    %get3A_18 = arith.constant 0 : index
    %get3A_19 = arith.constant 0 : index
    %get3A_20 = vector.load %arg1[%get3A_17, %get3A_18, %get3A_19] : memref<2x2000x128xf32, #tpu.memory_space<vmem>>, vector<1x2000x128xf32>
    %get3A_21 = vector.shape_cast %get3A_20 : vector<1x2000x128xf32> to vector<2000x128xf32>
    %add3A_22 = arith.addf %get3A_16, %get3A_21 : vector<2000x128xf32>
    %get3A_23 = arith.constant 0 : index
    %get3A_24 = arith.constant 0 : index
    %get3A_25 = vector.load %arg2[%get3A_23, %get3A_24] : memref<2000x128xf32, #tpu.memory_space<vmem>>, vector<2000x128xf32>
    %add3A_26 = arith.addf %add3A_22, %get3A_25 : vector<2000x128xf32>
    %mul3A = vector.broadcast %rsqrt3A : vector<2000x1xf32> to vector<2000x128xf32>
    %mul3A_27 = arith.mulf %mul3A, %add3A_26 : vector<2000x128xf32>
    %get3A_28 = arith.constant 0 : index
    %get3A_29 = arith.constant 0 : index
    %get3A_30 = vector.load %arg4[%get3A_28, %get3A_29] : memref<1x128xf32, #tpu.memory_space<vmem>>, vector<1x128xf32>
    %add3A_31 = vector.broadcast %get3A_30 : vector<1x128xf32> to vector<2000x128xf32>
    %add3A_32 = arith.addf %mul3A_27, %add3A_31 : vector<2000x128xf32>
    %gt3A = arith.constant 0.000000e+00 : f32
    %gt3A_33 = vector.broadcast %gt3A : f32 to vector<2000x128xf32>
    %gt3A_34 = arith.cmpf ogt, %add3A_32, %gt3A_33 : vector<2000x128xf32>
    %min3A = arith.constant 0.000000e+00 : f32
    %min3A_35 = vector.broadcast %min3A : f32 to vector<2000x128xf32>
    %min3A_36 = arith.minimumf %add3A_32, %min3A_35 : vector<2000x128xf32>
    %exp3A = math.exp %min3A_36 : vector<2000x128xf32>
    %sub3A = arith.constant 1.000000e+00 : f32
    %sub3A_37 = vector.broadcast %sub3A : f32 to vector<2000x128xf32>
    %sub3A_38 = arith.subf %exp3A, %sub3A_37 : vector<2000x128xf32>
    %select_n3A = arith.select %gt3A_34, %add3A_32, %sub3A_38 : vector<2000x128xi1>, vector<2000x128xf32>
    %swap3A = arith.constant 0 : index
    %swap3A_39 = arith.constant 0 : index
    %swap3A_40 = vector.load %arg6[%swap3A, %swap3A_39] : memref<2000x128xf32, #tpu.memory_space<vmem>>, vector<2000x128xf32>
    tpu.vector_store %arg6[%swap3A, %swap3A_39], %select_n3A {strides = array<i32>} : memref<2000x128xf32, #tpu.memory_space<vmem>>, vector<2000x128xf32>,
    %get3A_41 = arith.constant 0 : index
    %get3A_42 = arith.constant 0 : index
    %get3A_43 = vector.load %arg3[%get3A_41, %get3A_42] : memref<128x128xf32, #tpu.memory_space<vmem>>, vector<128x128xf32>
    %dot_general3A = arith.constant dense<0.000000e+00> : vector<2000x128xf32>
    %dot_general3A_44 = tpu.matmul %select_n3A, %get3A_43, %dot_general3A {dimension_numbers = #tpu.dot_dimension_numbers<[1], [0], [0], [1], [0, 0, 1, 1], [], []>, transpose_lhs_hint = false} : vector<2000x128xf32>, vector<128x128xf32>, vector<2000x128xf32> -> vector<2000x128xf32>
    %mul3A_45 = vector.broadcast %rsqrt3A : vector<2000x1xf32> to vector<2000x128xf32>
    %mul3A_46 = arith.mulf %dot_general3A_44, %mul3A_45 : vector<2000x128xf32>
    %swap3A_47 = arith.constant 0 : index
    %swap3A_48 = arith.constant 0 : index
    %swap3A_49 = vector.load %arg7[%swap3A_47, %swap3A_48] : memref<2000x128xf32, #tpu.memory_space<vmem>>, vector<2000x128xf32>
    tpu.vector_store %arg7[%swap3A_47, %swap3A_48], %mul3A_46 {strides = array<i32>} : memref<2000x128xf32, #tpu.memory_space<vmem>>, vector<2000x128xf32>,
    return
  }
  func.func @transform_0(%arg0: i32) -> (i32, i32, i32) {
    %c0_i32 = arith.constant 0 : i32
    %c0_i32_0 = arith.constant 0 : i32
    %c0_i32_1 = arith.constant 0 : i32
    return %c0_i32, %arg0, %c0_i32_0 : i32, i32, i32
  }
  func.func @transform_1(%arg0: i32) -> (i32, i32) {
    %c0_i32 = arith.constant 0 : i32
    %c0_i32_0 = arith.constant 0 : i32
    return %arg0, %c0_i32 : i32, i32
  }
  func.func @transform_2(%arg0: i32) -> (i32, i32) {
    %c0_i32 = arith.constant 0 : i32
    %c0_i32_0 = arith.constant 0 : i32
    %c0_i32_1 = arith.constant 0 : i32
    return %c0_i32, %c0_i32_0 : i32, i32
  }
  func.func @transform_3(%arg0: i32) -> (i32, i32) {
    %c0_i32 = arith.constant 0 : i32
    %c0_i32_0 = arith.constant 0 : i32
    %c0_i32_1 = arith.constant 0 : i32
    return %c0_i32, %c0_i32_0 : i32, i32
  }
  func.func @transform_4(%arg0: i32) -> (i32, i32, i32) {
    %c0_i32 = arith.constant 0 : i32
    %c0_i32_0 = arith.constant 0 : i32
    %c0_i32_1 = arith.constant 0 : i32
    return %c0_i32, %arg0, %c0_i32_0 : i32, i32, i32
  }
  func.func @transform_5(%arg0: i32) -> (i32, i32) {
    %c0_i32 = arith.constant 0 : i32
    %c0_i32_0 = arith.constant 0 : i32
    return %arg0, %c0_i32 : i32, i32
  }
  func.func @transform_6(%arg0: i32) -> (i32, i32) {
    %c0_i32 = arith.constant 0 : i32
    %c0_i32_0 = arith.constant 0 : i32
    return %arg0, %c0_i32 : i32, i32
  }
}

module attributes {stable_mosaic.version = 14 : i64} {
  func.func @_mid2_body(%arg0: i32, %arg1: memref<2x2000x128xf32, #tpu.memory_space<vmem>>, %arg2: memref<2000x128xf32, #tpu.memory_space<vmem>>, %arg3: memref<2000x128xf32, #tpu.memory_space<vmem>>, %arg4: memref<128x128xf32, #tpu.memory_space<vmem>>, %arg5: memref<1x128xf32, #tpu.memory_space<vmem>>, %arg6: memref<2x2000x128xf32, #tpu.memory_space<vmem>>, %arg7: memref<2000x128xf32, #tpu.memory_space<vmem>>, %arg8: memref<2000x128xf32, #tpu.memory_space<vmem>>) attributes {dimension_semantics = [#tpu.dimension_semantics<arbitrary>], iteration_bounds = array<i64: 5>, scalar_prefetch = 0 : i64, scratch_operands = 0 : i64, tpu.core_type = #tpu.core_type<tc>, window_params = [{transform_indices = @transform_0, window_bounds = array<i64: 2, 2000, 128>}, {transform_indices = @transform_1, window_bounds = array<i64: 2000, 128>}, {transform_indices = @transform_2, window_bounds = array<i64: 2000, 128>}, {pipeline_mode = #tpu.pipeline_mode<synchronous>, transform_indices = @transform_3, window_bounds = array<i64: 128, 128>}, {pipeline_mode = #tpu.pipeline_mode<synchronous>, transform_indices = @transform_4, window_bounds = array<i64: 1, 128>}, {transform_indices = @transform_5, window_bounds = array<i64: 2, 2000, 128>}, {transform_indices = @transform_6, window_bounds = array<i64: 2000, 128>}, {transform_indices = @transform_7, window_bounds = array<i64: 2000, 128>}]} {
    %get3A = arith.constant 0 : index
    %get3A_0 = arith.constant 0 : index
    %get3A_1 = arith.constant 0 : index
    %get3A_2 = vector.load %arg6[%get3A, %get3A_0, %get3A_1] : memref<2x2000x128xf32, #tpu.memory_space<vmem>>, vector<1x2000x1xf32>
    %get3A_3 = vector.shape_cast %get3A_2 : vector<1x2000x1xf32> to vector<2000x1xf32>
    %get3A_4 = arith.constant 1 : index
    %get3A_5 = arith.constant 0 : index
    %get3A_6 = arith.constant 0 : index
    %get3A_7 = vector.load %arg6[%get3A_4, %get3A_5, %get3A_6] : memref<2x2000x128xf32, #tpu.memory_space<vmem>>, vector<1x2000x1xf32>
    %get3A_8 = vector.shape_cast %get3A_7 : vector<1x2000x1xf32> to vector<2000x1xf32>
    %add3A = arith.addf %get3A_3, %get3A_8 : vector<2000x1xf32>
    %add3A_9 = arith.constant 1.000000e+00 : f32
    %add3A_10 = vector.broadcast %add3A_9 : f32 to vector<2000x1xf32>
    %add3A_11 = arith.addf %add3A, %add3A_10 : vector<2000x1xf32>
    %rsqrt3A = math.rsqrt %add3A_11 : vector<2000x1xf32>
    %get3A_12 = arith.constant 0 : index
    %get3A_13 = arith.constant 0 : index
    %get3A_14 = arith.constant 0 : index
    %get3A_15 = vector.load %arg1[%get3A_12, %get3A_13, %get3A_14] : memref<2x2000x128xf32, #tpu.memory_space<vmem>>, vector<1x2000x128xf32>
    %get3A_16 = vector.shape_cast %get3A_15 : vector<1x2000x128xf32> to vector<2000x128xf32>
    %get3A_17 = arith.constant 1 : index
    %get3A_18 = arith.constant 0 : index
    %get3A_19 = arith.constant 0 : index
    %get3A_20 = vector.load %arg1[%get3A_17, %get3A_18, %get3A_19] : memref<2x2000x128xf32, #tpu.memory_space<vmem>>, vector<1x2000x128xf32>
    %get3A_21 = vector.shape_cast %get3A_20 : vector<1x2000x128xf32> to vector<2000x128xf32>
    %add3A_22 = arith.addf %get3A_16, %get3A_21 : vector<2000x128xf32>
    %get3A_23 = arith.constant 0 : index
    %get3A_24 = arith.constant 0 : index
    %get3A_25 = vector.load %arg2[%get3A_23, %get3A_24] : memref<2000x128xf32, #tpu.memory_space<vmem>>, vector<2000x128xf32>
    %add3A_26 = arith.addf %add3A_22, %get3A_25 : vector<2000x128xf32>
    %mul3A = vector.broadcast %rsqrt3A : vector<2000x1xf32> to vector<2000x128xf32>
    %mul3A_27 = arith.mulf %mul3A, %add3A_26 : vector<2000x128xf32>
    %get3A_28 = arith.constant 0 : index
    %get3A_29 = arith.constant 0 : index
    %get3A_30 = vector.load %arg5[%get3A_28, %get3A_29] : memref<1x128xf32, #tpu.memory_space<vmem>>, vector<1x128xf32>
    %add3A_31 = vector.broadcast %get3A_30 : vector<1x128xf32> to vector<2000x128xf32>
    %add3A_32 = arith.addf %mul3A_27, %add3A_31 : vector<2000x128xf32>
    %get3A_33 = arith.constant 0 : index
    %get3A_34 = arith.constant 0 : index
    %get3A_35 = vector.load %arg3[%get3A_33, %get3A_34] : memref<2000x128xf32, #tpu.memory_space<vmem>>, vector<2000x128xf32>
    %add3A_36 = arith.addf %get3A_35, %add3A_32 : vector<2000x128xf32>
    %gt3A = arith.constant 0.000000e+00 : f32
    %gt3A_37 = vector.broadcast %gt3A : f32 to vector<2000x128xf32>
    %gt3A_38 = arith.cmpf ogt, %add3A_36, %gt3A_37 : vector<2000x128xf32>
    %min3A = arith.constant 0.000000e+00 : f32
    %min3A_39 = vector.broadcast %min3A : f32 to vector<2000x128xf32>
    %min3A_40 = arith.minimumf %add3A_36, %min3A_39 : vector<2000x128xf32>
    %exp3A = math.exp %min3A_40 : vector<2000x128xf32>
    %sub3A = arith.constant 1.000000e+00 : f32
    %sub3A_41 = vector.broadcast %sub3A : f32 to vector<2000x128xf32>
    %sub3A_42 = arith.subf %exp3A, %sub3A_41 : vector<2000x128xf32>
    %select_n3A = arith.select %gt3A_38, %add3A_36, %sub3A_42 : vector<2000x128xi1>, vector<2000x128xf32>
    %swap3A = arith.constant 0 : index
    %swap3A_43 = arith.constant 0 : index
    %swap3A_44 = vector.load %arg7[%swap3A, %swap3A_43] : memref<2000x128xf32, #tpu.memory_space<vmem>>, vector<2000x128xf32>
    tpu.vector_store %arg7[%swap3A, %swap3A_43], %select_n3A {strides = array<i32>} : memref<2000x128xf32, #tpu.memory_space<vmem>>, vector<2000x128xf32>,
    %get3A_45 = arith.constant 0 : index
    %get3A_46 = arith.constant 0 : index
    %get3A_47 = vector.load %arg4[%get3A_45, %get3A_46] : memref<128x128xf32, #tpu.memory_space<vmem>>, vector<128x128xf32>
    %dot_general3A = arith.constant dense<0.000000e+00> : vector<2000x128xf32>
    %dot_general3A_48 = tpu.matmul %select_n3A, %get3A_47, %dot_general3A {dimension_numbers = #tpu.dot_dimension_numbers<[1], [0], [0], [1], [0, 0, 1, 1], [], []>, transpose_lhs_hint = false} : vector<2000x128xf32>, vector<128x128xf32>, vector<2000x128xf32> -> vector<2000x128xf32>
    %mul3A_49 = vector.broadcast %rsqrt3A : vector<2000x1xf32> to vector<2000x128xf32>
    %mul3A_50 = arith.mulf %dot_general3A_48, %mul3A_49 : vector<2000x128xf32>
    %swap3A_51 = arith.constant 0 : index
    %swap3A_52 = arith.constant 0 : index
    %swap3A_53 = vector.load %arg8[%swap3A_51, %swap3A_52] : memref<2000x128xf32, #tpu.memory_space<vmem>>, vector<2000x128xf32>
    tpu.vector_store %arg8[%swap3A_51, %swap3A_52], %mul3A_50 {strides = array<i32>} : memref<2000x128xf32, #tpu.memory_space<vmem>>, vector<2000x128xf32>,
    return
  }
  func.func @transform_0(%arg0: i32) -> (i32, i32, i32) {
    %c0_i32 = arith.constant 0 : i32
    %c0_i32_0 = arith.constant 0 : i32
    %c0_i32_1 = arith.constant 0 : i32
    return %c0_i32, %arg0, %c0_i32_0 : i32, i32, i32
  }
  func.func @transform_1(%arg0: i32) -> (i32, i32) {
    %c0_i32 = arith.constant 0 : i32
    %c0_i32_0 = arith.constant 0 : i32
    return %arg0, %c0_i32 : i32, i32
  }
  func.func @transform_2(%arg0: i32) -> (i32, i32) {
    %c0_i32 = arith.constant 0 : i32
    %c0_i32_0 = arith.constant 0 : i32
    return %arg0, %c0_i32 : i32, i32
  }
  func.func @transform_3(%arg0: i32) -> (i32, i32) {
    %c0_i32 = arith.constant 0 : i32
    %c0_i32_0 = arith.constant 0 : i32
    %c0_i32_1 = arith.constant 0 : i32
    return %c0_i32, %c0_i32_0 : i32, i32
  }
  func.func @transform_4(%arg0: i32) -> (i32, i32) {
    %c0_i32 = arith.constant 0 : i32
    %c0_i32_0 = arith.constant 0 : i32
    %c0_i32_1 = arith.constant 0 : i32
    return %c0_i32, %c0_i32_0 : i32, i32
  }
  func.func @transform_5(%arg0: i32) -> (i32, i32, i32) {
    %c0_i32 = arith.constant 0 : i32
    %c0_i32_0 = arith.constant 0 : i32
    %c0_i32_1 = arith.constant 0 : i32
    return %c0_i32, %arg0, %c0_i32_0 : i32, i32, i32
  }
  func.func @transform_6(%arg0: i32) -> (i32, i32) {
    %c0_i32 = arith.constant 0 : i32
    %c0_i32_0 = arith.constant 0 : i32
    return %arg0, %c0_i32 : i32, i32
  }
  func.func @transform_7(%arg0: i32) -> (i32, i32) {
    %c0_i32 = arith.constant 0 : i32
    %c0_i32_0 = arith.constant 0 : i32
    return %arg0, %c0_i32 : i32, i32
  }
}

module attributes {stable_mosaic.version = 14 : i64} {
  func.func @_final_body(%arg0: i32, %arg1: memref<2x2000x128xf32, #tpu.memory_space<vmem>>, %arg2: memref<2000x128xf32, #tpu.memory_space<vmem>>, %arg3: memref<8x128xf32, #tpu.memory_space<vmem>>, %arg4: memref<8x128xf32, #tpu.memory_space<vmem>>, %arg5: memref<2x8x128xf32, #tpu.memory_space<vmem>>, %arg6: memref<1x128xf32, #tpu.memory_space<vmem>>, %arg7: memref<1x128xf32, #tpu.memory_space<vmem>>, %arg8: memref<1x128xf32, #tpu.memory_space<vmem>>, %arg9: memref<128x128xf32, #tpu.memory_space<vmem>>, %arg10: memref<1x128xf32, #tpu.memory_space<vmem>>, %arg11: memref<128x3xf32, #tpu.memory_space<vmem>>, %arg12: memref<1x3xf32, #tpu.memory_space<vmem>>, %arg13: memref<1x3xf32, #tpu.memory_space<vmem>>, %arg14: memref<8x128xf32, #tpu.memory_space<vmem>>) attributes {dimension_semantics = [#tpu.dimension_semantics<arbitrary>], iteration_bounds = array<i64: 5>, scalar_prefetch = 0 : i64, scratch_operands = 1 : i64, tpu.core_type = #tpu.core_type<tc>, window_params = [{transform_indices = @transform_0, window_bounds = array<i64: 2, 2000, 128>}, {transform_indices = @transform_1, window_bounds = array<i64: 2000, 128>}, {transform_indices = @transform_2, window_bounds = array<i64: 8, 128>}, {transform_indices = @transform_3, window_bounds = array<i64: 8, 128>}, {transform_indices = @transform_4, window_bounds = array<i64: 2, 8, 128>}, {pipeline_mode = #tpu.pipeline_mode<synchronous>, transform_indices = @transform_5, window_bounds = array<i64: 1, 128>}, {pipeline_mode = #tpu.pipeline_mode<synchronous>, transform_indices = @transform_6, window_bounds = array<i64: 1, 128>}, {pipeline_mode = #tpu.pipeline_mode<synchronous>, transform_indices = @transform_7, window_bounds = array<i64: 1, 128>}, {pipeline_mode = #tpu.pipeline_mode<synchronous>, transform_indices = @transform_8, window_bounds = array<i64: 128, 128>}, {pipeline_mode = #tpu.pipeline_mode<synchronous>, transform_indices = @transform_9, window_bounds = array<i64: 1, 128>}, {pipeline_mode = #tpu.pipeline_mode<synchronous>, transform_indices = @transform_10, window_bounds = array<i64: 128, 3>}, {pipeline_mode = #tpu.pipeline_mode<synchronous>, transform_indices = @transform_11, window_bounds = array<i64: 1, 3>}, {pipeline_mode = #tpu.pipeline_mode<synchronous>, transform_indices = @transform_12, window_bounds = array<i64: 1, 3>}]} {
    %eq3A = arith.constant 0 : i32
    %eq3A_0 = arith.cmpi eq, %arg0, %eq3A : i32
    %convert_element_type3A = arith.extui %eq3A_0 : i1 to i32
    %cond3A = arith.constant 0 : i32
    %cond3A_1 = arith.cmpi ne, %convert_element_type3A, %cond3A : i32
    scf.if %cond3A_1 {
      %broadcast_in_dim3A_27 = arith.constant 0.000000e+00 : f32
      %broadcast_in_dim3A_28 = vector.broadcast %broadcast_in_dim3A_27 : f32 to vector<8x128xf32>
      %swap3A_29 = arith.constant 0 : index
      %swap3A_30 = arith.constant 0 : index
      %swap3A_31 = vector.load %arg14[%swap3A_29, %swap3A_30] : memref<8x128xf32, #tpu.memory_space<vmem>>, vector<8x128xf32>
      tpu.vector_store %arg14[%swap3A_29, %swap3A_30], %broadcast_in_dim3A_28 {strides = array<i32>} : memref<8x128xf32, #tpu.memory_space<vmem>>, vector<8x128xf32>,
    } else {
    }
    %get3A = arith.constant 0 : index
    %get3A_2 = arith.constant 0 : index
    %get3A_3 = arith.constant 0 : index
    %get3A_4 = vector.load %arg1[%get3A, %get3A_2, %get3A_3] : memref<2x2000x128xf32, #tpu.memory_space<vmem>>, vector<1x2000x1xf32>
    %get3A_5 = vector.shape_cast %get3A_4 : vector<1x2000x1xf32> to vector<2000x1xf32>
    %get3A_6 = arith.constant 1 : index
    %get3A_7 = arith.constant 0 : index
    %get3A_8 = arith.constant 0 : index
    %get3A_9 = vector.load %arg1[%get3A_6, %get3A_7, %get3A_8] : memref<2x2000x128xf32, #tpu.memory_space<vmem>>, vector<1x2000x1xf32>
    %get3A_10 = vector.shape_cast %get3A_9 : vector<1x2000x1xf32> to vector<2000x1xf32>
    %add3A = arith.addf %get3A_5, %get3A_10 : vector<2000x1xf32>
    %get3A_11 = arith.constant 0 : index
    %get3A_12 = arith.constant 0 : index
    %get3A_13 = vector.load %arg14[%get3A_11, %get3A_12] : memref<8x128xf32, #tpu.memory_space<vmem>>, vector<1x128xf32>
    %get3A_14 = arith.constant 0 : index
    %get3A_15 = arith.constant 0 : index
    %get3A_16 = vector.load %arg2[%get3A_14, %get3A_15] : memref<2000x128xf32, #tpu.memory_space<vmem>>, vector<2000x128xf32>
    %mul3A = vector.broadcast %add3A : vector<2000x1xf32> to vector<2000x128xf32>
    %mul3A_17 = arith.mulf %get3A_16, %mul3A : vector<2000x128xf32>
    %reduce_sum3A = arith.constant dense<0.000000e+00> : vector<128xf32>
    %reduce_sum3A_18 = vector.multi_reduction <add>, %mul3A_17, %reduce_sum3A [0] : vector<2000x128xf32> to vector<128xf32>
    %broadcast_in_dim3A = vector.shape_cast %reduce_sum3A_18 : vector<128xf32> to vector<1x128xf32>
    %add3A_19 = arith.addf %get3A_13, %broadcast_in_dim3A : vector<1x128xf32>
    %swap3A = arith.constant 0 : index
    %swap3A_20 = arith.constant 0 : index
    %swap3A_21 = vector.load %arg14[%swap3A, %swap3A_20] : memref<8x128xf32, #tpu.memory_space<vmem>>, vector<1x128xf32>
    tpu.vector_store %arg14[%swap3A, %swap3A_20], %add3A_19 {strides = array<i32>} : memref<8x128xf32, #tpu.memory_space<vmem>>, vector<1x128xf32>,
    %eq3A_22 = arith.constant 4 : i32
    %eq3A_23 = arith.cmpi eq, %arg0, %eq3A_22 : i32
    %convert_element_type3A_24 = arith.extui %eq3A_23 : i1 to i32
    %cond3A_25 = arith.constant 0 : i32
    %cond3A_26 = arith.cmpi ne, %convert_element_type3A_24, %cond3A_25 : i32
    scf.if %cond3A_26 {
      %get3A_27 = arith.constant 0 : index
      %get3A_28 = arith.constant 0 : index
      %get3A_29 = arith.constant 0 : index
      %get3A_30 = vector.load %arg5[%get3A_27, %get3A_28, %get3A_29] : memref<2x8x128xf32, #tpu.memory_space<vmem>>, vector<1x1x1xf32>
      %get3A_31 = vector.extract %get3A_30[0, 0, 0] : f32 from vector<1x1x1xf32>
      %get3A_32 = arith.constant 1 : index
      %get3A_33 = arith.constant 0 : index
      %get3A_34 = arith.constant 0 : index
      %get3A_35 = vector.load %arg5[%get3A_32, %get3A_33, %get3A_34] : memref<2x8x128xf32, #tpu.memory_space<vmem>>, vector<1x1x1xf32>
      %get3A_36 = vector.extract %get3A_35[0, 0, 0] : f32 from vector<1x1x1xf32>
      %add3A_37 = arith.addf %get3A_31, %get3A_36 : f32
      %add3A_38 = arith.constant 1.000000e+00 : f32
      %add3A_39 = arith.addf %add3A_37, %add3A_38 : f32
      %rsqrt3A = math.rsqrt %add3A_39 : f32
      %get3A_40 = arith.constant 0 : index
      %get3A_41 = arith.constant 0 : index
      %get3A_42 = vector.load %arg14[%get3A_40, %get3A_41] : memref<8x128xf32, #tpu.memory_space<vmem>>, vector<1x128xf32>
      %get3A_43 = arith.constant 0 : index
      %get3A_44 = arith.constant 0 : index
      %get3A_45 = vector.load %arg3[%get3A_43, %get3A_44] : memref<8x128xf32, #tpu.memory_space<vmem>>, vector<1x128xf32>
      %add3A_46 = arith.addf %get3A_42, %get3A_45 : vector<1x128xf32>
      %mul3A_47 = vector.broadcast %rsqrt3A : f32 to vector<1x128xf32>
      %mul3A_48 = arith.mulf %mul3A_47, %add3A_46 : vector<1x128xf32>
      %get3A_49 = arith.constant 0 : index
      %get3A_50 = arith.constant 0 : index
      %get3A_51 = vector.load %arg6[%get3A_49, %get3A_50] : memref<1x128xf32, #tpu.memory_space<vmem>>, vector<1x128xf32>
      %add3A_52 = arith.addf %mul3A_48, %get3A_51 : vector<1x128xf32>
      %get3A_53 = arith.constant 0 : index
      %get3A_54 = arith.constant 0 : index
      %get3A_55 = vector.load %arg4[%get3A_53, %get3A_54] : memref<8x128xf32, #tpu.memory_space<vmem>>, vector<1x128xf32>
      %add3A_56 = arith.addf %get3A_55, %add3A_52 : vector<1x128xf32>
      %gt3A = arith.constant 0.000000e+00 : f32
      %gt3A_57 = vector.broadcast %gt3A : f32 to vector<1x128xf32>
      %gt3A_58 = arith.cmpf ogt, %add3A_56, %gt3A_57 : vector<1x128xf32>
      %min3A = arith.constant 0.000000e+00 : f32
      %min3A_59 = vector.broadcast %min3A : f32 to vector<1x128xf32>
      %min3A_60 = arith.minimumf %add3A_56, %min3A_59 : vector<1x128xf32>
      %exp3A = math.exp %min3A_60 : vector<1x128xf32>
      %sub3A = arith.constant 1.000000e+00 : f32
      %sub3A_61 = vector.broadcast %sub3A : f32 to vector<1x128xf32>
      %sub3A_62 = arith.subf %exp3A, %sub3A_61 : vector<1x128xf32>
      %select_n3A = arith.select %gt3A_58, %add3A_56, %sub3A_62 : vector<1x128xi1>, vector<1x128xf32>
      %reduce_sum3A_63 = vector.shape_cast %select_n3A : vector<1x128xf32> to vector<1x1x128xf32>
      %reduce_sum3A_64 = arith.constant dense<0.000000e+00> : vector<1xf32>
      %reduce_sum3A_65 = vector.multi_reduction <add>, %reduce_sum3A_63, %reduce_sum3A_64 [1, 2] : vector<1x1x128xf32> to vector<1xf32>
      %reduce_sum3A_66 = vector.shape_cast %reduce_sum3A_65 : vector<1xf32> to vector<1x1x1xf32>
      %reduce_sum3A_67 = vector.extract %reduce_sum3A_66[0, 0, 0] : f32 from vector<1x1x1xf32>
      %div3A = arith.constant 1.280000e+02 : f32
      %div3A_68 = arith.divf %reduce_sum3A_67, %div3A : f32
      %sub3A_69 = vector.broadcast %div3A_68 : f32 to vector<1x128xf32>
      %sub3A_70 = arith.subf %select_n3A, %sub3A_69 : vector<1x128xf32>
      %integer_pow3A = arith.mulf %sub3A_70, %sub3A_70 : vector<1x128xf32>
      %reduce_sum3A_71 = vector.shape_cast %integer_pow3A : vector<1x128xf32> to vector<1x1x128xf32>
      %reduce_sum3A_72 = arith.constant dense<0.000000e+00> : vector<1xf32>
      %reduce_sum3A_73 = vector.multi_reduction <add>, %reduce_sum3A_71, %reduce_sum3A_72 [1, 2] : vector<1x1x128xf32> to vector<1xf32>
      %reduce_sum3A_74 = vector.shape_cast %reduce_sum3A_73 : vector<1xf32> to vector<1x1x1xf32>
      %reduce_sum3A_75 = vector.extract %reduce_sum3A_74[0, 0, 0] : f32 from vector<1x1x1xf32>
      %div3A_76 = arith.constant 1.280000e+02 : f32
      %div3A_77 = arith.divf %reduce_sum3A_75, %div3A_76 : f32
      %sub3A_78 = vector.broadcast %div3A_68 : f32 to vector<1x128xf32>
      %sub3A_79 = arith.subf %select_n3A, %sub3A_78 : vector<1x128xf32>
      %add3A_80 = arith.constant 9.99999974E-6 : f32
      %add3A_81 = arith.addf %div3A_77, %add3A_80 : f32
      %sqrt3A = math.sqrt %add3A_81 : f32
      %div3A_82 = vector.broadcast %sqrt3A : f32 to vector<1x128xf32>
      %div3A_83 = arith.divf %sub3A_79, %div3A_82 : vector<1x128xf32>
      %get3A_84 = arith.constant 0 : index
      %get3A_85 = arith.constant 0 : index
      %get3A_86 = vector.load %arg7[%get3A_84, %get3A_85] : memref<1x128xf32, #tpu.memory_space<vmem>>, vector<1x128xf32>
      %mul3A_87 = arith.mulf %div3A_83, %get3A_86 : vector<1x128xf32>
      %get3A_88 = arith.constant 0 : index
      %get3A_89 = arith.constant 0 : index
      %get3A_90 = vector.load %arg8[%get3A_88, %get3A_89] : memref<1x128xf32, #tpu.memory_space<vmem>>, vector<1x128xf32>
      %add3A_91 = arith.addf %mul3A_87, %get3A_90 : vector<1x128xf32>
      %get3A_92 = arith.constant 0 : index
      %get3A_93 = arith.constant 0 : index
      %get3A_94 = vector.load %arg9[%get3A_92, %get3A_93] : memref<128x128xf32, #tpu.memory_space<vmem>>, vector<128x128xf32>
      %dot_general3A = arith.constant dense<0.000000e+00> : vector<1x128xf32>
      %dot_general3A_95 = tpu.matmul %add3A_91, %get3A_94, %dot_general3A {dimension_numbers = #tpu.dot_dimension_numbers<[1], [0], [0], [1], [0, 0, 1, 1], [], []>, transpose_lhs_hint = false} : vector<1x128xf32>, vector<128x128xf32>, vector<1x128xf32> -> vector<1x128xf32>
      %get3A_96 = arith.constant 0 : index
      %get3A_97 = arith.constant 0 : index
      %get3A_98 = vector.load %arg10[%get3A_96, %get3A_97] : memref<1x128xf32, #tpu.memory_space<vmem>>, vector<1x128xf32>
      %add3A_99 = arith.addf %dot_general3A_95, %get3A_98 : vector<1x128xf32>
      %gt3A_100 = arith.constant 0.000000e+00 : f32
      %gt3A_101 = vector.broadcast %gt3A_100 : f32 to vector<1x128xf32>
      %gt3A_102 = arith.cmpf ogt, %add3A_99, %gt3A_101 : vector<1x128xf32>
      %min3A_103 = arith.constant 0.000000e+00 : f32
      %min3A_104 = vector.broadcast %min3A_103 : f32 to vector<1x128xf32>
      %min3A_105 = arith.minimumf %add3A_99, %min3A_104 : vector<1x128xf32>
      %exp3A_106 = math.exp %min3A_105 : vector<1x128xf32>
      %sub3A_107 = arith.constant 1.000000e+00 : f32
      %sub3A_108 = vector.broadcast %sub3A_107 : f32 to vector<1x128xf32>
      %sub3A_109 = arith.subf %exp3A_106, %sub3A_108 : vector<1x128xf32>
      %select_n3A_110 = arith.select %gt3A_102, %add3A_99, %sub3A_109 : vector<1x128xi1>, vector<1x128xf32>
      %get3A_111 = arith.constant 0 : index
      %get3A_112 = arith.constant 0 : index
      %get3A_113 = vector.load %arg11[%get3A_111, %get3A_112] : memref<128x3xf32, #tpu.memory_space<vmem>>, vector<128x3xf32>
      %dot_general3A_114 = arith.constant dense<0.000000e+00> : vector<1x3xf32>
      %dot_general3A_115 = tpu.matmul %select_n3A_110, %get3A_113, %dot_general3A_114 {dimension_numbers = #tpu.dot_dimension_numbers<[1], [0], [0], [1], [0, 0, 1, 1], [], []>, transpose_lhs_hint = false} : vector<1x128xf32>, vector<128x3xf32>, vector<1x3xf32> -> vector<1x3xf32>
      %get3A_116 = arith.constant 0 : index
      %get3A_117 = arith.constant 0 : index
      %get3A_118 = vector.load %arg12[%get3A_116, %get3A_117] : memref<1x3xf32, #tpu.memory_space<vmem>>, vector<1x3xf32>
      %add3A_119 = arith.addf %dot_general3A_115, %get3A_118 : vector<1x3xf32>
      %swap3A_120 = arith.constant 0 : index
      %swap3A_121 = arith.constant 0 : index
      %swap3A_122 = vector.load %arg13[%swap3A_120, %swap3A_121] : memref<1x3xf32, #tpu.memory_space<vmem>>, vector<1x3xf32>
      tpu.vector_store %arg13[%swap3A_120, %swap3A_121], %add3A_119 {strides = array<i32>} : memref<1x3xf32, #tpu.memory_space<vmem>>, vector<1x3xf32>,
    } else {
    }
    return
  }
  func.func @transform_0(%arg0: i32) -> (i32, i32, i32) {
    %c0_i32 = arith.constant 0 : i32
    %c0_i32_0 = arith.constant 0 : i32
    %c0_i32_1 = arith.constant 0 : i32
    return %c0_i32, %arg0, %c0_i32_0 : i32, i32, i32
  }
  func.func @transform_1(%arg0: i32) -> (i32, i32) {
    %c0_i32 = arith.constant 0 : i32
    %c0_i32_0 = arith.constant 0 : i32
    return %arg0, %c0_i32 : i32, i32
  }
  func.func @transform_2(%arg0: i32) -> (i32, i32) {
    %c0_i32 = arith.constant 0 : i32
    %c0_i32_0 = arith.constant 0 : i32
    %c0_i32_1 = arith.constant 0 : i32
    return %c0_i32, %c0_i32_0 : i32, i32
  }
  func.func @transform_3(%arg0: i32) -> (i32, i32) {
    %c0_i32 = arith.constant 0 : i32
    %c0_i32_0 = arith.constant 0 : i32
    %c0_i32_1 = arith.constant 0 : i32
    return %c0_i32, %c0_i32_0 : i32, i32
  }
  func.func @transform_4(%arg0: i32) -> (i32, i32, i32) {
    %c0_i32 = arith.constant 0 : i32
    %c0_i32_0 = arith.constant 0 : i32
    %c0_i32_1 = arith.constant 0 : i32
    %c0_i32_2 = arith.constant 0 : i32
    return %c0_i32, %c0_i32_0, %c0_i32_1 : i32, i32, i32
  }
  func.func @transform_5(%arg0: i32) -> (i32, i32) {
    %c0_i32 = arith.constant 0 : i32
    %c0_i32_0 = arith.constant 0 : i32
    %c0_i32_1 = arith.constant 0 : i32
    return %c0_i32, %c0_i32_0 : i32, i32
  }
  func.func @transform_6(%arg0: i32) -> (i32, i32) {
    %c0_i32 = arith.constant 0 : i32
    %c0_i32_0 = arith.constant 0 : i32
    %c0_i32_1 = arith.constant 0 : i32
    return %c0_i32, %c0_i32_0 : i32, i32
  }
  func.func @transform_7(%arg0: i32) -> (i32, i32) {
    %c0_i32 = arith.constant 0 : i32
    %c0_i32_0 = arith.constant 0 : i32
    %c0_i32_1 = arith.constant 0 : i32
    return %c0_i32, %c0_i32_0 : i32, i32
  }
  func.func @transform_8(%arg0: i32) -> (i32, i32) {
    %c0_i32 = arith.constant 0 : i32
    %c0_i32_0 = arith.constant 0 : i32
    %c0_i32_1 = arith.constant 0 : i32
    return %c0_i32, %c0_i32_0 : i32, i32
  }
  func.func @transform_9(%arg0: i32) -> (i32, i32) {
    %c0_i32 = arith.constant 0 : i32
    %c0_i32_0 = arith.constant 0 : i32
    %c0_i32_1 = arith.constant 0 : i32
    return %c0_i32, %c0_i32_0 : i32, i32
  }
  func.func @transform_10(%arg0: i32) -> (i32, i32) {
    %c0_i32 = arith.constant 0 : i32
    %c0_i32_0 = arith.constant 0 : i32
    %c0_i32_1 = arith.constant 0 : i32
    return %c0_i32, %c0_i32_0 : i32, i32
  }
  func.func @transform_11(%arg0: i32) -> (i32, i32) {
    %c0_i32 = arith.constant 0 : i32
    %c0_i32_0 = arith.constant 0 : i32
    %c0_i32_1 = arith.constant 0 : i32
    return %c0_i32, %c0_i32_0 : i32, i32
  }
  func.func @transform_12(%arg0: i32) -> (i32, i32) {
    %c0_i32 = arith.constant 0 : i32
    %c0_i32_0 = arith.constant 0 : i32
    %c0_i32_1 = arith.constant 0 : i32
    return %c0_i32, %c0_i32_0 : i32, i32
  }
}

</mosaic_0001>

<sc_bundles>
// kernel: kernel.10.cloned.1.call-start
scs
__scs_entry_jumppad:
0x0: {  	(pc) =	sbr.rel $0x88, $3  }
0x1: {  	(tag) =	ssettag $0x0;
	lr =	simm.s32 $0x1  }
0x2: {  	[smem:$0x3F93] =	sst lr;
	_ =	strace $0xD0000000  }
0x3: {  	_ = 	snop  }
0x4: {  	_ = 	snop  }
0x5: {  	_ = 	snop  }
0x6: {  	_ = 	snop  }
0x7: {  	_ = 	snop  }
__scs_overlays_trampoline_lowered:
0x8: {  	[smem:$0x3FA2] =	sst s0  }
0x9: {  	[smem:$0x3FA3] =	sst s1  }
0xa: {  	[smem:$0x3FA4] =	sst s2  }
0xb: {  	[smem:$0x3FA5] =	sst s3  }
0xc: {  	[smem:$0x3FA6] =	sst s4  }
0xd: {  	[smem:$0x3FA7] =	sst s5  }
0xe: {  	[smem:$0x3FA8] =	sst s6  }
0xf: {  	[smem:$0x3FA9] =	sst s7  }
0x10: {  	[smem:$0x3FAA] =	sst s8  }
0x11: {  	[smem:$0x3FAB] =	sst s9;
	s0 =	simm.s32 @!p0 $0x0  }
0x12: {  	s1 =	sld [smem:$0x3F91];
	s0 =	simm.s32 @p0 $0x1  }
0x13: {  	[smem:$0x3FAC] =	sst s0;
	s0 =	simm.s32 @!p1 $0x0  }
0x14: {  	s2 =	sld [smem:$0x3F90];
	s0 =	simm.s32 @p1 $0x1  }
0x15: {  	[smem:$0x3FAD] =	sst s0;
	s0 =	simm.s32 @!p2 $0x0  }
0x16: {  	s3 =	sld [smem:$0x3FDB];
	s0 =	simm.s32 @p2 $0x1  }
0x17: {  	s4 =	simm.s32 $0x1BF5;
	[smem:$0x3FAF] =	sst s0  }
0x18: {  	s0 =	sld [smem:$0x3F92];
	_ =	swait.ge [sflag:s4], $0x0  }
0x19: {  	s7 =	sld [smem:$0x3F93]  }
0x1a: {  	s8 =	sadd.s32 $0xFFFFE003, lr  }
0x1b: {  	s9 =	sadd.s32 $0xFFFFFEF7, lr;
	s5 =	simm.s32 $0xFFFFFFFF;
	p2 =	slt.u32 s8, $0xFFFFF086  }
0x1c: {  	p1 =	slt.u32 s9, $0xF7A;
	s5 =	simm.s32 @!p2 $0x0  }
0x1d: {  	s5 =	simm.s32 @p1 $0x1;
	p0 =	seq.s32 s7, s2  }
0x1e: {  	s7 =	smul.u32 @!p0 $0xF7A, s2;
	p2 =	seq.s32 @!p0 s5, $0x0  }
0x1f: {  	s9 =	smul.u32 $0xF7A, s1;
	s8 =	simm.s32 @!p0 $0x1BF5;
	p2 =	por !p2, p0  }
0x20: {  	[sflag:s8] =	ssyncset.s32 @!p0 $0xFFFFF086;
	s6 =	sadd.s32 @!p0 s3, s7;
	s7 =	simm.s32 @!p0 $0x108  }
0x21: {  	s3 =	sadd.s32 s3, s9;
	s6 =	sadd.s32 @!p0 $0x88, s6;
	s7 =	simm.s32 @p2 $0x1082  }
0x22: {  	[simem:s7], [sflag:s8] =	dma.local @!p0 [hbm:s6], $0xF7A  }
0x23: {  	s9 =	sor.u32 $0xD0000000, s2;
	s6 =	simm.s32 $0x108;
	_ =	swait.ge @!p0 [sflag:s8], $0x0  }
0x24: {  	s3 =	sadd.s32 $0x88, s3;
	s6 =	simm.s32 @!p1 $0x1082;
	[sflag:s4] =	ssyncset.s32 $0xFFFFF086  }
0x25: {  	[simem:s6], [sflag:s4] =	dma.local [hbm:s3], $0xF7A  }
0x26: {  	[smem:$0x3F93] =	sst s1;
	(tag) =	ssettag s2;
	_ =	strace s9  }
0x27: {  	s1 =	sld [smem:$0x3FA3]  }
0x28: {  	s2 =	sld [smem:$0x3FA4]  }
0x29: {  	s4 =	sld [smem:$0x3FA6]  }
0x2a: {  	p0 =	seq.s32 s5, $0x0;
	s5 =	sld [smem:$0x3FA7]  }
0x2b: {  	s6 =	sld [smem:$0x3FA8]  }
0x2c: {  	s7 =	sld [smem:$0x3FA9]  }
0x2d: {  	s3 =	simm.s32 $0x108;
	s8 =	sld [smem:$0x3FAA]  }
0x2e: {  	s3 =	simm.s32 @!p0 $0x1082;
	s9 =	sld [smem:$0x3FAB]  }
0x2f: {  	lr =	sadd.s32 s0, s3;
	s0 =	sld [smem:$0x3FA2]  }
0x30: {  	s3 =	sld [smem:$0x3FA5]  }
0x31: {  	[smem:$0x3FAE] =	sst s10  }
0x32: {  	s10 =	sld [smem:$0x3FAC];
	_ =	sdelay $0x3  }
0x33: {  	p0 =	seq.s32 s10, $0x1;
	s10 =	sld [smem:$0x3FAE];
	_ =	sdelay $0x3  }
0x34: {  	[smem:$0x3FAE] =	sst s10  }
0x35: {  	s10 =	sld [smem:$0x3FAD];
	_ =	sdelay $0x3  }
0x36: {  	p1 =	seq.s32 s10, $0x1;
	s10 =	sld [smem:$0x3FAE];
	_ =	sdelay $0x3  }
0x37: {  	[smem:$0x3FAE] =	sst s10  }
0x38: {  	s10 =	sld [smem:$0x3FAF]  }
0x39: {  	_ = 	snop;
	(pc) =	sbr.ind lr, $3  }
0x3a: {  	_ = 	snop  }
0x3b: {  	_ = 	snop  }
0x3c: {  	p2 =	seq.s32 s10, $0x1;
	s10 =	sld [smem:$0x3FAE]  }
0x3d: {  	_ =	shalt  }
0x3e: {  	_ =	shalt  }
0x3f: {  	_ =	shalt  }
0x40: {  	_ =	shalt  }
0x41: {  	_ =	shalt  }
0x42: {  	_ =	shalt  }
0x43: {  	_ =	shalt  }
0x44: {  	_ =	shalt  }
0x45: {  	_ =	shalt  }
0x46: {  	_ =	shalt  }
0x47: {  	_ =	shalt  }
0x48: {  	_ =	shalt  }
0x49: {  	_ =	shalt  }
0x4a: {  	_ =	shalt  }
0x4b: {  	_ =	shalt  }
0x4c: {  	_ =	shalt  }
0x4d: {  	_ =	shalt  }
0x4e: {  	_ =	shalt  }
0x4f: {  	_ =	shalt  }
0x50: {  	_ =	shalt  }
0x51: {  	_ =	shalt  }
0x52: {  	_ =	shalt  }
0x53: {  	_ =	shalt  }
0x54: {  	_ =	shalt  }
0x55: {  	_ =	shalt  }
0x56: {  	_ =	shalt  }
0x57: {  	_ =	shalt  }
0x58: {  	_ =	shalt  }
0x59: {  	_ =	shalt  }
0x5a: {  	_ =	shalt  }
0x5b: {  	_ =	shalt  }
0x5c: {  	_ =	shalt  }
0x5d: {  	_ =	shalt  }
0x5e: {  	_ =	shalt  }
0x5f: {  	_ =	shalt  }
0x60: {  	_ =	shalt  }
0x61: {  	_ =	shalt  }
0x62: {  	_ =	shalt  }
0x63: {  	_ =	shalt  }
0x64: {  	_ =	shalt  }
0x65: {  	_ =	shalt  }
0x66: {  	_ =	shalt  }
0x67: {  	_ =	shalt  }
0x68: {  	_ =	shalt  }
0x69: {  	_ =	shalt  }
0x6a: {  	_ =	shalt  }
0x6b: {  	_ =	shalt  }
0x6c: {  	_ =	shalt  }
0x6d: {  	_ =	shalt  }
0x6e: {  	_ =	shalt  }
0x6f: {  	_ =	shalt  }
0x70: {  	_ =	shalt  }
0x71: {  	_ =	shalt  }
0x72: {  	_ =	shalt  }
0x73: {  	_ =	shalt  }
0x74: {  	_ =	shalt  }
0x75: {  	_ =	shalt  }
0x76: {  	_ =	shalt  }
0x77: {  	_ =	shalt  }
0x78: {  	_ =	shalt  }
0x79: {  	_ =	shalt  }
0x7a: {  	_ =	shalt  }
0x7b: {  	_ =	shalt  }
0x7c: {  	_ =	shalt  }
0x7d: {  	_ =	shalt  }
0x7e: {  	_ =	shalt  }
0x7f: {  	_ =	shalt  }
0x80: {  	_ =	shalt  }
0x81: {  	_ =	shalt  }
0x82: {  	_ =	shalt  }
0x83: {  	_ =	shalt  }
0x84: {  	_ =	shalt  }
0x85: {  	_ =	shalt  }
0x86: {  	_ =	shalt  }
0x87: {  	_ =	shalt  }
.Lfunc_end0:
.L_simem_size_0:
called_computation_lowered:
.L_overlay_start_0:
0x88: {  	s2 =	sld [smem:$0x3FD9]  }
0x89: {  	s3 =	sld [smem:$0x3FFE];
	_ =	sdelay $0x1  }
0x8a: {  	s1 =	srdreg.scid  }
0x8b: {  	s0 =	sand.u32 $0x1, s1  }
0x8c: {  	s16 =	sshll.u32 s0, $0xA;
	s2 =	sadd.s32 s3, s2  }
0x8d: {  	s2 =	sadd.s32 s2, s16  }
0x8e: {  	[smem:$0x3FBA] =	sst s2  }
0x8f: {  	_ = 	snop  }
0x90: {  	(tm) =	ssettm $0x1  }
0x91: {  	s17 =	sld [smem:$0x3FFB];
	_ =	sdelay $0x3  }
0x92: {  	_ =	strace s17  }
0x93: {  	s2 =	sld [smem:$0x3FFC];
	_ =	sdelay $0x3  }
0x94: {  	_ =	strace s2  }
0x95: {  	s2 =	sld [smem:$0x3FFD];
	_ =	sdelay $0x3  }
0x96: {  	_ =	strace s2  }
0x97: {  	_ =	strace $0x8FFFFFFF  }
0x98: {  	s18 =	sld [smem:$0x3FDB];
	_ =	sdelay $0x1  }
0x99: {  	s19 =	simm.s32 $_scs_section_size  }
0x9a: {  	s4 =	simm.s32 $_size__tile_overlayer_lowered;
	s5 =	simm.s32 $_tile_overlayer_lowered  }
0x9b: {  	s22 =	simm.s32 $0x1BFF;
	s21 =	sshll.u32 s5, $0x1;
	s2 =	sadd.s32 s19, s18  }
0x9c: {  	s6 =	simm.s32 $0x0;
	s20 =	sshll.u32 s4, $0x1;
	s4 =	sadd.s32 s21, s2  }
0x9d: {  	[timem:s6], [sflag:s22] =	dma.local [hbm:s4], s20  }
0x9e: {  	_ =	swait.ge [sflag:s22], s20  }
0x9f: {  	s3 =	ssub.s32 $0x0, s20;
	[sflag:s22] =	ssyncset.done $0x0  }
0xa0: {  	[sflag:s22] =	ssyncadd.s32 s3;
	_ =	sdelay $0x1  }
0xa1: {  	s23 =	simm.s32 $0x1B8B  }
0xa2: {  	_ =	swait.ge [sflag:s23], $0x1  }
0xa3: {  	[sflag:s23] =	ssyncset.done $0x0  }
0xa4: {  	s25 =	simm.s32 $0x1B8E;
	s24 =	sld [smem:$0x3FFE];
	[sflag:s23] =	ssyncadd.s32 $0xFFFFFFFF  }
0xa5: {  	s26 =	simm.s32 $execute0_lowered;
	[smem:$0x3FD2] =	sst s25  }
0xa6: {  	s4 =	sshll.u32 s26, $0x1;
	_ =	strace $0x80000046;
	[dreg:$0x1] =	wrdreg $0xFFFFFFFF  }
0xa7: {  	s28 =	simm.s32 $_size_execute0_lowered;
	s2 =	sadd.s32 s2, s4;
	[dreg:$0x0] =	wrdreg $0x0  }
0xa8: {  	s4 =	sshll.u32 s28, $0x1;
	[dreg:$0x2] =	wrdreg s2  }
0xa9: {  	[dreg:$0x3] =	wrdreg s4  }
0xaa: {  	[dreg:$0x4] =	wrdreg $0xC0  }
0xab: {  	_ =	task [dreg:s6], $0x5FFFF  }
0xac: {  	[dreg:$0x1] =	wrdreg $0xFFFFFFFF  }
0xad: {  	[dreg:$0x0] =	wrdreg $0x60  }
0xae: {  	[dreg:$0x2] =	wrdreg s24  }
0xaf: {  	[dreg:$0x3] =	wrdreg $0x68000  }
0xb0: {  	[dreg:$0x4] =	wrdreg $0x9  }
0xb1: {  	_ =	task.clear_ibuf [dreg:s6], $0x5FFFF;
	_ =	strace $0x90000046  }
0xb2: {  	s29 =	simm.s32 $0x9;
	_ =	strace $0x80000048  }
0xb3: {  	_ =	swait.ge [sflag:s29], $0x1  }
0xb4: {  	[sflag:s29] =	ssyncadd.s32 $0xFFFFFFFF  }
0xb5: {  	_ =	strace $0x90000048  }
0xb6: {  	_ =	sfence  }
0xb7: {  	s30 =	sld [smem:$0x0];
	_ =	sdelay $0x2  }
0xb8: {  	s31 =	sshll.u32 s1, $0xD;
	s1 =	sshrl.u32 s1, $0x2  }
0xb9: {  	s3 =	sand.u32 $0x4000, s31;
	s1 =	sadd.s32 s1, s30  }
0xba: {  	s0 =	sor.u32 s3, s0;
	s1 =	sshll.u32 s1, $0x11  }
0xbb: {  	s0 =	sor.u32 s1, s0  }
0xbc: {  	s0 =	sadd.s32 $0x8F2B, s0  }
0xbd: {  	[sflag:s0] =	ssyncadd.remote.s32 $0x1  }
0xbe: {  	_ =	sfence.sel $0xFFFF  }
0xbf: {  	[dreg:$0x0] =	wrdreg $0xFFFFFFFF;
	(pc) =	sbr.abs _section_cstart, $3  }
0xc0: {  	[dreg:$0x1] =	wrdreg $0xFFFFFFFF  }
0xc1: {  	_ =	task.clear_ibuf [dreg:s6], $0x2FFFF;
	_ =	strace $0x9FFFFFFF  }
0xc2: {  	(tm) =	ssettm $0x7FFFFFFF  }
0xc3: {  	_ =	shalt  }
tec
execute0_lowered:
.L_overlay_start_1:
0x0: {  	(tag) =	ssettag $0x1  }
0x1: {  	s6 =	rddreg [dreg:$0x0]  }
0x2: {  	s0 =	srdreg.scid;
	s2 =	rddreg [dreg:$0x1]  }
0x3: {  	s3 =	simm.s32 $0x0;
	s5 =	sand.u32 $0x1, s0;
	s0 =	stileid.u32  }
0x4: {  	s14 =	simm.s32 $0x1;
	s15 =	simm.s32 $0x0;
	s7 =	smul.u32 $0x14000, s0  }
0x5: {  	[smem:$0x7FF] =	sst s3;
	s1 =	sshll.u32 s5, $0x4;
	s8 =	smul.u32 $0x140000, s5  }
0x6: {  	s5 =	ssub.s32 $0x2, s5;
	s28 =	smul.u32 $0x50000, s0;
	s1 =	sor.u32 s0, s1  }
0x7: {  	s31 =	sshll.u32 s0, $0x6;
	s29 =	sshrl.u32 s5, $0x1;
	s4 =	smul.u32 $0x500, s1  }
0x8: {  	s1 =	rddreg [dreg:$0x2];
	_ =	strace $0x80000047;
	s10 =	sshrl.u32 s7, $0x3  }
0x9: {  	s7 =	sadd.s32 s7, s8;
	s12 =	ssub.s32 s5, s29;
	s30 =	sshrl.u32 s28, $0x2  }
0xa: {  	s7 =	sshrl.u32 s7, $0x3;
	s10 =	sadd.s32 s10, s6;
	s13 =	sadd.s32 s30, s2  }
0xb: {  	s9 =	sadd.s32 s4, s6;
	s4 =	sadd.s32 $0x4A600, s6;
	s11 =	sadd.s32 s7, s6  }
0xc: {  	s5 =	sadd.s32 $0x22600, s10;
	s6 =	sor.u32 $0x1C02, s31;
	s10 =	sshrl.u32 s13, $0x3  }
0xd: {  	s13 =	simm.s32 $0x80;
	s7 =	sadd.s32 $0x4600, s9;
	s8 =	sadd.s32 $0x4AE00, s11  }
0xe: {  	s9 =	smax.u32 s12, $0x1;
	s11 =	simm.s32 $0x2;
	s12 =	simm.s32 $0x2800  }
.LBB2_1:
0xf: {  	[spmem:s10], [sflag:s6] =	dma.local [hbm:s5], $0x2800  }
0x10: {  	_ =	swait.ge [sflag:s11], $0x2800  }
0x11: {  	[sflag:s11] =	ssyncset.done $0x0  }
0x12: {  	[sflag:s11] =	ssyncadd.s32 $0xFFFFD800  }
0x13: {  	[tilespmem:s3], [sflag:$0x2] =	stream.linear.gather [hbm4b:s7+s3], $0x2800, $0x38;
	[tilespmem:$0x1A800] =	vst v63  }
0x14: {  	_ =	swait.ge [sflag:s11], $0x2800  }
0x15: {  	[sflag:s11] =	ssyncset.done $0x0  }
0x16: {  	[sflag:s11] =	ssyncadd.s32 $0xFFFFD800  }
0x17: {  	[tilespmem:s12], [sflag:$0x2] =	stream.linear.gather [hbm4b:s4+s3], $0x4000, $0x38;
	[tilespmem:$0x1A800] =	vst v63  }
0x18: {  	_ =	swait.ge [sflag:s11], $0x4000  }
0x19: {  	[sflag:s11] =	ssyncset.done $0x0  }
0x1a: {  	[sflag:s11] =	ssyncadd.s32 $0xFFFFC000  }
0x1b: {  	s16 =	simm.s32 $0x0;
	[bflag:$0x0] =	sbarrier.arrive $0xFFFF  }
.LBB2_2:
0x1c: {  	p0 =	sne.s32 s16, $0x9E00  }
.Ltmp0:
0x1d: {  	_ = 	snop;
	(pc) =	sbr.rel @p0 .LBB2_2-.Ltmp0, $3  }
0x1e: {  	_ =	sdelay $0x1  }
0x1f: {  	s17 =	sshra.s32 s16, $0x2;
	s16 =	sadd.s32 $0x200, s16  }
0x20: {  	[spmem:s2] =	stream.indirect.scatter.add.f32 [tilespmem:s12], [sflag:$0x1], $0x80, s17, s13, $0xb8;
	[tilespmem:$0x1A800] =	vst v63  }
0x21: {  	_ =	swait.ge [sflag:s14], $0x4000  }
0x22: {  	s16 =	simm.s32 $0x4F;
	[sflag:s14] =	ssyncset.done $0x0  }
.LBB2_4:
0x23: {  	p0 =	sne.s32 s16, $0x1;
	s16 =	sadd.s32 $0xFFFFFFFF, s16;
	[sflag:s14] =	ssyncadd.s32 $0xFFFFC000  }
.Ltmp1:
0x24: {  	(pc) =	sbr.rel @p0 .LBB2_4-.Ltmp1, $3  }
0x25: {  	_ =	sdelay $0x1  }
0x26: {  	_ =	swait.ge [sflag:s14], $0x4000  }
0x27: {  	[sflag:s14] =	ssyncset.done $0x0  }
0x28: {  	s15 =	sadd.s32 $0x1, s15  }
0x29: {  	[sflag:s14] =	ssyncadd.s32 $0xFFFFC000;
	p0 =	sne.s32 s15, s9  }
.Ltmp2:
0x2a: {  	[bflag:$0x0] =	sbarrier.arrive $0xFFFF;
	(pc) =	sbr.rel @p0 .LBB2_1-.Ltmp2, $4  }
0x2b: {  	[hbm:s8], [sflag:s6] =	dma.local [spmem:s10], $0x2800  }
0x2c: {  	_ =	swait.ge [sflag:s11], $0x2800  }
0x2d: {  	[sflag:s11] =	ssyncset.done $0x0  }
0x2e: {  	[sflag:s11] =	ssyncadd.s32 $0xFFFFD800  }
0x2f: {  	_ =	sfence.sel $0x180000  }
0x30: {  	[bflag:$0x0] =	sbarrier.arrive $0xFFFF  }
0x31: {  	p0 =	sne.s32 s0, $0x0;
	_ =	strace $0x90000047  }
0x32: {  	s0 =	sadd.s32 @!p0 $0x100000, s1;
	[bflag:$0x2] =	sbarrier.arrive $0xFFFF  }
0x33: {  	[sflag:s0] =	ssyncadd.tile.s32 @!p0 $0x1;
	_ =	shalt  }
.Lfunc_end2:
_tile_overlayer_lowered:
.L_overlay_start_2:
0x34: {  	(tag) =	ssettag $0x2  }
0x35: {  	s0 =	rddreg [dreg:$0x0];
	s2 =	stileid.u32  }
0x36: {  	s1 =	rddreg [dreg:$0x1];
	p0 =	sne.s32 s2, $0x0  }
0x37: {  	s3 =	rddreg [dreg:$0x2];
	[bflag:$0x3] =	sbarrier.arrive $0xFFFF;
	s2 =	simm.s32 @!p0 $0x1C02  }
0x38: {  	[timem:s3], [sflag:s2] =	dma.local @!p0 [hbm:s0], s1  }
0x39: {  	s0 =	simm.s32 @!p0 $0x2  }
0x3a: {  	_ =	swait.ge @!p0 [sflag:s0], s1  }
0x3b: {  	s1 =	ssub.s32 @!p0 $0x0, s1;
	[sflag:s0] =	ssyncset.done @!p0 $0x0  }
0x3c: {  	[sflag:s0] =	ssyncadd.s32 @!p0 s1  }
0x3d: {  	[bflag:$0x3] =	sbarrier.arrive $0xFFFF  }
0x3e: {  	_ =	shalt  }

// kernel: kernel.13.cloned.1.call-start
scs
__scs_entry_jumppad:
0x0: {  	(pc) =	sbr.rel $0x88, $3  }
0x1: {  	(tag) =	ssettag $0x0;
	lr =	simm.s32 $0x1  }
0x2: {  	[smem:$0x3F93] =	sst lr;
	_ =	strace $0xD0000000  }
0x3: {  	_ = 	snop  }
0x4: {  	_ = 	snop  }
0x5: {  	_ = 	snop  }
0x6: {  	_ = 	snop  }
0x7: {  	_ = 	snop  }
__scs_overlays_trampoline_lowered:
0x8: {  	[smem:$0x3FA2] =	sst s0  }
0x9: {  	[smem:$0x3FA3] =	sst s1  }
0xa: {  	[smem:$0x3FA4] =	sst s2  }
0xb: {  	[smem:$0x3FA5] =	sst s3  }
0xc: {  	[smem:$0x3FA6] =	sst s4  }
0xd: {  	[smem:$0x3FA7] =	sst s5  }
0xe: {  	[smem:$0x3FA8] =	sst s6  }
0xf: {  	[smem:$0x3FA9] =	sst s7  }
0x10: {  	[smem:$0x3FAA] =	sst s8  }
0x11: {  	[smem:$0x3FAB] =	sst s9;
	s0 =	simm.s32 @!p0 $0x0  }
0x12: {  	s1 =	sld [smem:$0x3F91];
	s0 =	simm.s32 @p0 $0x1  }
0x13: {  	[smem:$0x3FAC] =	sst s0;
	s0 =	simm.s32 @!p1 $0x0  }
0x14: {  	s2 =	sld [smem:$0x3F90];
	s0 =	simm.s32 @p1 $0x1  }
0x15: {  	[smem:$0x3FAD] =	sst s0;
	s0 =	simm.s32 @!p2 $0x0  }
0x16: {  	s3 =	sld [smem:$0x3FDB];
	s0 =	simm.s32 @p2 $0x1  }
0x17: {  	s4 =	simm.s32 $0x1BF5;
	[smem:$0x3FAF] =	sst s0  }
0x18: {  	s0 =	sld [smem:$0x3F92];
	_ =	swait.ge [sflag:s4], $0x0  }
0x19: {  	s7 =	sld [smem:$0x3F93]  }
0x1a: {  	s8 =	sadd.s32 $0xFFFFE003, lr  }
0x1b: {  	s9 =	sadd.s32 $0xFFFFFEF7, lr;
	s5 =	simm.s32 $0xFFFFFFFF;
	p2 =	slt.u32 s8, $0xFFFFF086  }
0x1c: {  	p1 =	slt.u32 s9, $0xF7A;
	s5 =	simm.s32 @!p2 $0x0  }
0x1d: {  	s5 =	simm.s32 @p1 $0x1;
	p0 =	seq.s32 s7, s2  }
0x1e: {  	s7 =	smul.u32 @!p0 $0xF7A, s2;
	p2 =	seq.s32 @!p0 s5, $0x0  }
0x1f: {  	s9 =	smul.u32 $0xF7A, s1;
	s8 =	simm.s32 @!p0 $0x1BF5;
	p2 =	por !p2, p0  }
0x20: {  	[sflag:s8] =	ssyncset.s32 @!p0 $0xFFFFF086;
	s6 =	sadd.s32 @!p0 s3, s7;
	s7 =	simm.s32 @!p0 $0x108  }
0x21: {  	s3 =	sadd.s32 s3, s9;
	s6 =	sadd.s32 @!p0 $0x88, s6;
	s7 =	simm.s32 @p2 $0x1082  }
0x22: {  	[simem:s7], [sflag:s8] =	dma.local @!p0 [hbm:s6], $0xF7A  }
0x23: {  	s9 =	sor.u32 $0xD0000000, s2;
	s6 =	simm.s32 $0x108;
	_ =	swait.ge @!p0 [sflag:s8], $0x0  }
0x24: {  	s3 =	sadd.s32 $0x88, s3;
	s6 =	simm.s32 @!p1 $0x1082;
	[sflag:s4] =	ssyncset.s32 $0xFFFFF086  }
0x25: {  	[simem:s6], [sflag:s4] =	dma.local [hbm:s3], $0xF7A  }
0x26: {  	[smem:$0x3F93] =	sst s1;
	(tag) =	ssettag s2;
	_ =	strace s9  }
0x27: {  	s1 =	sld [smem:$0x3FA3]  }
0x28: {  	s2 =	sld [smem:$0x3FA4]  }
0x29: {  	s4 =	sld [smem:$0x3FA6]  }
0x2a: {  	p0 =	seq.s32 s5, $0x0;
	s5 =	sld [smem:$0x3FA7]  }
0x2b: {  	s6 =	sld [smem:$0x3FA8]  }
0x2c: {  	s7 =	sld [smem:$0x3FA9]  }
0x2d: {  	s3 =	simm.s32 $0x108;
	s8 =	sld [smem:$0x3FAA]  }
0x2e: {  	s3 =	simm.s32 @!p0 $0x1082;
	s9 =	sld [smem:$0x3FAB]  }
0x2f: {  	lr =	sadd.s32 s0, s3;
	s0 =	sld [smem:$0x3FA2]  }
0x30: {  	s3 =	sld [smem:$0x3FA5]  }
0x31: {  	[smem:$0x3FAE] =	sst s10  }
0x32: {  	s10 =	sld [smem:$0x3FAC];
	_ =	sdelay $0x3  }
0x33: {  	p0 =	seq.s32 s10, $0x1;
	s10 =	sld [smem:$0x3FAE];
	_ =	sdelay $0x3  }
0x34: {  	[smem:$0x3FAE] =	sst s10  }
0x35: {  	s10 =	sld [smem:$0x3FAD];
	_ =	sdelay $0x3  }
0x36: {  	p1 =	seq.s32 s10, $0x1;
	s10 =	sld [smem:$0x3FAE];
	_ =	sdelay $0x3  }
0x37: {  	[smem:$0x3FAE] =	sst s10  }
0x38: {  	s10 =	sld [smem:$0x3FAF]  }
0x39: {  	_ = 	snop;
	(pc) =	sbr.ind lr, $3  }
0x3a: {  	_ = 	snop  }
0x3b: {  	_ = 	snop  }
0x3c: {  	p2 =	seq.s32 s10, $0x1;
	s10 =	sld [smem:$0x3FAE]  }
0x3d: {  	_ =	shalt  }
0x3e: {  	_ =	shalt  }
0x3f: {  	_ =	shalt  }
0x40: {  	_ =	shalt  }
0x41: {  	_ =	shalt  }
0x42: {  	_ =	shalt  }
0x43: {  	_ =	shalt  }
0x44: {  	_ =	shalt  }
0x45: {  	_ =	shalt  }
0x46: {  	_ =	shalt  }
0x47: {  	_ =	shalt  }
0x48: {  	_ =	shalt  }
0x49: {  	_ =	shalt  }
0x4a: {  	_ =	shalt  }
0x4b: {  	_ =	shalt  }
0x4c: {  	_ =	shalt  }
0x4d: {  	_ =	shalt  }
0x4e: {  	_ =	shalt  }
0x4f: {  	_ =	shalt  }
0x50: {  	_ =	shalt  }
0x51: {  	_ =	shalt  }
0x52: {  	_ =	shalt  }
0x53: {  	_ =	shalt  }
0x54: {  	_ =	shalt  }
0x55: {  	_ =	shalt  }
0x56: {  	_ =	shalt  }
0x57: {  	_ =	shalt  }
0x58: {  	_ =	shalt  }
0x59: {  	_ =	shalt  }
0x5a: {  	_ =	shalt  }
0x5b: {  	_ =	shalt  }
0x5c: {  	_ =	shalt  }
0x5d: {  	_ =	shalt  }
0x5e: {  	_ =	shalt  }
0x5f: {  	_ =	shalt  }
0x60: {  	_ =	shalt  }
0x61: {  	_ =	shalt  }
0x62: {  	_ =	shalt  }
0x63: {  	_ =	shalt  }
0x64: {  	_ =	shalt  }
0x65: {  	_ =	shalt  }
0x66: {  	_ =	shalt  }
0x67: {  	_ =	shalt  }
0x68: {  	_ =	shalt  }
0x69: {  	_ =	shalt  }
0x6a: {  	_ =	shalt  }
0x6b: {  	_ =	shalt  }
0x6c: {  	_ =	shalt  }
0x6d: {  	_ =	shalt  }
0x6e: {  	_ =	shalt  }
0x6f: {  	_ =	shalt  }
0x70: {  	_ =	shalt  }
0x71: {  	_ =	shalt  }
0x72: {  	_ =	shalt  }
0x73: {  	_ =	shalt  }
0x74: {  	_ =	shalt  }
0x75: {  	_ =	shalt  }
0x76: {  	_ =	shalt  }
0x77: {  	_ =	shalt  }
0x78: {  	_ =	shalt  }
0x79: {  	_ =	shalt  }
0x7a: {  	_ =	shalt  }
0x7b: {  	_ =	shalt  }
0x7c: {  	_ =	shalt  }
0x7d: {  	_ =	shalt  }
0x7e: {  	_ =	shalt  }
0x7f: {  	_ =	shalt  }
0x80: {  	_ =	shalt  }
0x81: {  	_ =	shalt  }
0x82: {  	_ =	shalt  }
0x83: {  	_ =	shalt  }
0x84: {  	_ =	shalt  }
0x85: {  	_ =	shalt  }
0x86: {  	_ =	shalt  }
0x87: {  	_ =	shalt  }
.Lfunc_end0:
.L_simem_size_0:
called_computation.1_lowered:
.L_overlay_start_0:
0x88: {  	s2 =	sld [smem:$0x3FD9]  }
0x89: {  	s3 =	sld [smem:$0x3FFE];
	_ =	sdelay $0x1  }
0x8a: {  	s1 =	srdreg.scid  }
0x8b: {  	s0 =	sand.u32 $0x1, s1  }
0x8c: {  	s16 =	sshll.u32 s0, $0xA;
	s2 =	sadd.s32 s3, s2  }
0x8d: {  	s2 =	sadd.s32 s2, s16  }
0x8e: {  	[smem:$0x3FBA] =	sst s2  }
0x8f: {  	_ = 	snop  }
0x90: {  	(tm) =	ssettm $0x1  }
0x91: {  	s17 =	sld [smem:$0x3FFB];
	_ =	sdelay $0x3  }
0x92: {  	_ =	strace s17  }
0x93: {  	s2 =	sld [smem:$0x3FFC];
	_ =	sdelay $0x3  }
0x94: {  	_ =	strace s2  }
0x95: {  	s2 =	sld [smem:$0x3FFD];
	_ =	sdelay $0x3  }
0x96: {  	_ =	strace s2  }
0x97: {  	_ =	strace $0x8FFFFFFF  }
0x98: {  	s18 =	sld [smem:$0x3FDB];
	_ =	sdelay $0x1  }
0x99: {  	s19 =	simm.s32 $_scs_section_size  }
0x9a: {  	s4 =	simm.s32 $_size__tile_overlayer_lowered;
	s5 =	simm.s32 $_tile_overlayer_lowered  }
0x9b: {  	s22 =	simm.s32 $0x1BFF;
	s21 =	sshll.u32 s5, $0x1;
	s2 =	sadd.s32 s19, s18  }
0x9c: {  	s6 =	simm.s32 $0x0;
	s20 =	sshll.u32 s4, $0x1;
	s4 =	sadd.s32 s21, s2  }
0x9d: {  	[timem:s6], [sflag:s22] =	dma.local [hbm:s4], s20  }
0x9e: {  	_ =	swait.ge [sflag:s22], s20  }
0x9f: {  	s3 =	ssub.s32 $0x0, s20;
	[sflag:s22] =	ssyncset.done $0x0  }
0xa0: {  	[sflag:s22] =	ssyncadd.s32 s3;
	_ =	sdelay $0x1  }
0xa1: {  	s23 =	simm.s32 $0x1B8B  }
0xa2: {  	_ =	swait.ge [sflag:s23], $0x1  }
0xa3: {  	[sflag:s23] =	ssyncset.done $0x0  }
0xa4: {  	s25 =	simm.s32 $0x1B8E;
	s24 =	sld [smem:$0x3FFE];
	[sflag:s23] =	ssyncadd.s32 $0xFFFFFFFF  }
0xa5: {  	s26 =	simm.s32 $execute0_lowered;
	[smem:$0x3FD2] =	sst s25  }
0xa6: {  	s4 =	sshll.u32 s26, $0x1;
	_ =	strace $0x80000049;
	[dreg:$0x1] =	wrdreg $0xFFFFFFFF  }
0xa7: {  	s28 =	simm.s32 $_size_execute0_lowered;
	s2 =	sadd.s32 s2, s4;
	[dreg:$0x0] =	wrdreg $0x0  }
0xa8: {  	s4 =	sshll.u32 s28, $0x1;
	[dreg:$0x2] =	wrdreg s2  }
0xa9: {  	[dreg:$0x3] =	wrdreg s4  }
0xaa: {  	[dreg:$0x4] =	wrdreg $0xC0  }
0xab: {  	_ =	task [dreg:s6], $0x5FFFF  }
0xac: {  	[dreg:$0x1] =	wrdreg $0xFFFFFFFF  }
0xad: {  	[dreg:$0x0] =	wrdreg $0x60  }
0xae: {  	[dreg:$0x2] =	wrdreg s24  }
0xaf: {  	[dreg:$0x3] =	wrdreg $0x90000  }
0xb0: {  	[dreg:$0x4] =	wrdreg $0x9  }
0xb1: {  	_ =	task.clear_ibuf [dreg:s6], $0x5FFFF;
	_ =	strace $0x90000049  }
0xb2: {  	s29 =	simm.s32 $0x9;
	_ =	strace $0x8000004B  }
0xb3: {  	_ =	swait.ge [sflag:s29], $0x1  }
0xb4: {  	[sflag:s29] =	ssyncadd.s32 $0xFFFFFFFF  }
0xb5: {  	_ =	strace $0x9000004B  }
0xb6: {  	_ =	sfence  }
0xb7: {  	s30 =	sld [smem:$0x0];
	_ =	sdelay $0x2  }
0xb8: {  	s31 =	sshll.u32 s1, $0xD;
	s1 =	sshrl.u32 s1, $0x2  }
0xb9: {  	s3 =	sand.u32 $0x4000, s31;
	s1 =	sadd.s32 s1, s30  }
0xba: {  	s0 =	sor.u32 s3, s0;
	s1 =	sshll.u32 s1, $0x11  }
0xbb: {  	s0 =	sor.u32 s1, s0  }
0xbc: {  	s0 =	sadd.s32 $0x8F2B, s0  }
0xbd: {  	[sflag:s0] =	ssyncadd.remote.s32 $0x1  }
0xbe: {  	_ =	sfence.sel $0xFFFF  }
0xbf: {  	[dreg:$0x0] =	wrdreg $0xFFFFFFFF;
	(pc) =	sbr.abs _section_cstart, $3  }
0xc0: {  	[dreg:$0x1] =	wrdreg $0xFFFFFFFF  }
0xc1: {  	_ =	task.clear_ibuf [dreg:s6], $0x2FFFF;
	_ =	strace $0x9FFFFFFF  }
0xc2: {  	(tm) =	ssettm $0x7FFFFFFF  }
0xc3: {  	_ =	shalt  }
tec
execute0_lowered:
.L_overlay_start_1:
0x0: {  	(tag) =	ssettag $0x1  }
0x1: {  	s7 =	rddreg [dreg:$0x0]  }
0x2: {  	s2 =	rddreg [dreg:$0x1]  }
0x3: {  	s0 =	rddreg [dreg:$0x2]  }
0x4: {  	s1 =	stileid.u32;
	s4 =	srdreg.scid  }
0x5: {  	s3 =	simm.s32 $0x0;
	s15 =	simm.s32 $0x1;
	s16 =	simm.s32 $0x80  }
0x6: {  	s17 =	simm.s32 $0x2;
	s18 =	simm.s32 $0x0;
	s8 =	smul.u32 $0x14000, s1  }
0x7: {  	s9 =	sand.u32 $0x1, s4;
	[smem:$0x7FF] =	sst s3;
	s4 =	sadd.s32 $0x9AE00, s7  }
0x8: {  	s5 =	sadd.s32 $0xE600, s7;
	s6 =	sadd.s32 $0x4600, s7;
	s12 =	smul.u32 $0x50000, s1  }
0x9: {  	s31 =	sshll.u32 s1, $0x6;
	s10 =	smul.u32 $0x140000, s9;
	_ =	strace $0x8000004A  }
0xa: {  	s26 =	ssub.s32 $0x2, s9;
	s29 =	sshll.u32 s9, $0x4;
	s11 =	sshrl.u32 s8, $0x3  }
0xb: {  	s28 =	sshrl.u32 s26, $0x1;
	s30 =	sshrl.u32 s12, $0x2;
	s9 =	sor.u32 s1, s29  }
.Ltmp0:
0xc: {  	s8 =	sadd.s32 s8, s10;
	s11 =	sadd.s32 s11, s7;
	(pc) =	sbr.rel .LBB2_1-.Ltmp0, $4  }
0xd: {  	s14 =	ssub.s32 s26, s28;
	s12 =	sadd.s32 s30, s2;
	s8 =	sshrl.u32 s8, $0x3  }
0xe: {  	s9 =	smul.u32 $0x2800, s9;
	s12 =	sshrl.u32 s12, $0x3;
	s13 =	sadd.s32 s8, s7  }
0xf: {  	s7 =	sadd.s32 $0x22600, s11;
	s8 =	sor.u32 $0x1C03, s31;
	s11 =	smax.u32 s14, $0x1  }
0x10: {  	s14 =	simm.s32 $0x1000;
	s10 =	sadd.s32 $0xC2000, s13;
	s13 =	simm.s32 $0x3  }
.LBB2_6:
0x11: {  	s18 =	sadd.s32 $0x1, s18  }
0x12: {  	p0 =	sne.s32 s18, s11  }
.Ltmp1:
0x13: {  	[bflag:$0x0] =	sbarrier.arrive $0xFFFF;
	(pc) =	sbr.rel @!p0 .LBB2_7-.Ltmp1, $4  }
0x14: {  	[hbm:s10], [sflag:s8] =	dma.local [spmem:s12], $0x2800  }
0x15: {  	_ =	swait.ge [sflag:s13], $0x2800  }
0x16: {  	[sflag:s13] =	ssyncset.done $0x0  }
0x17: {  	[sflag:s13] =	ssyncadd.s32 $0xFFFFD800  }
.LBB2_1:
0x18: {  	[spmem:s12], [sflag:s8] =	dma.local [hbm:s7], $0x2800  }
.Ltmp2:
0x19: {  	_ =	swait.ge [sflag:s13], $0x2800;
	(pc) =	sbr.rel .LBB2_2-.Ltmp2, $4  }
0x1a: {  	[sflag:s13] =	ssyncset.done $0x0  }
0x1b: {  	[sflag:s13] =	ssyncadd.s32 $0xFFFFD800  }
0x1c: {  	[bflag:$0x0] =	sbarrier.arrive $0xFFFF  }
0x1d: {  	s19 =	simm.s32 $0x0  }
.LBB2_5:
0x1e: {  	s19 =	sadd.s32 $0x1, s19  }
0x1f: {  	p0 =	sne.s32 s19, $0x5  }
.Ltmp3:
0x20: {  	_ = 	snop;
	(pc) =	sbr.rel @!p0 .LBB2_6-.Ltmp3, $4  }
0x21: {  	_ = 	snop  }
0x22: {  	_ =	swait.ge [sflag:s17], $0x4000  }
0x23: {  	[sflag:s17] =	ssyncset.done $0x0  }
0x24: {  	[sflag:s17] =	ssyncadd.s32 $0xFFFFC000  }
.LBB2_2:
0x25: {  	s20 =	sshll.u32 s19, $0xB  }
0x26: {  	s20 =	sadd.s32 s9, s20  }
0x27: {  	s20 =	sshrl.u32 s20, $0x3  }
0x28: {  	s21 =	sadd.s32 s5, s20  }
0x29: {  	[tilespmem:s3], [sflag:$0x3] =	stream.linear.gather [hbm4b:s21+s3], $0x800, $0x38;
	[tilespmem:$0x1D000] =	vst v63  }
0x2a: {  	_ =	swait.ge [sflag:s13], $0x800  }
0x2b: {  	[sflag:s13] =	ssyncset.done $0x0  }
0x2c: {  	s31 =	sadd.s32 s6, s20;
	s20 =	simm.s32 $0x800;
	[sflag:s13] =	ssyncadd.s32 $0xFFFFF800  }
0x2d: {  	[tilespmem:s20], [sflag:$0x3] =	stream.linear.gather [hbm4b:s31+s3], $0x800, $0x38;
	[tilespmem:$0x1D000] =	vst v63  }
0x2e: {  	_ =	swait.ge [sflag:s13], $0x800  }
0x2f: {  	s22 =	simm.s32 $0x4000;
	[sflag:s13] =	ssyncset.done $0x0  }
0x30: {  	s23 =	simm.s32 $0xF;
	s21 =	simm.s32 $0x80;
	[sflag:s13] =	ssyncadd.s32 $0xFFFFF800  }
0x31: {  	[tilespmem:s14], [sflag:$0x1] =	stream.indirect.gather [hbm4b:s4+s21], $0x80, s3, s21, $0xb8;
	[tilespmem:$0x1D000] =	vst v63  }
.LBB2_3:
0x32: {  	s24 =	sadd.s32 $0xFFFFC000, s22;
	_ =	swait.ge [sflag:s15], $0x4000;
	p0 =	seq.s32 s23, $0xF  }
0x33: {  	s24 =	sand.u32 $0x4000, s24;
	[sflag:s15] =	ssyncset.done $0x0;
	p1 =	seq.s32 @!p0 s23, $0x0  }
0x34: {  	s24 =	sor.u32 $0x1000, s24;
	[sflag:s15] =	ssyncadd.s32 $0xFFFFC000;
	p1 =	por p0, !p1  }
0x35: {  	[spmem:s2] =	stream.indirect.scatter.add.f32 [tilespmem:s24], [sflag:$0x2], $0x80, s20, s16, $0xb8;
	[tilespmem:$0x1D000] =	vst v63  }
.Ltmp4:
0x36: {  	_ = 	snop;
	(pc) =	sbr.rel @!p1 .LBB2_5-.Ltmp4, $4  }
0x37: {  	s24 =	simm.s32 @!p0 $0x2  }
0x38: {  	_ =	swait.ge @!p0 [sflag:s24], $0x4000  }
0x39: {  	[sflag:s24] =	ssyncset.done @!p0 $0x0  }
0x3a: {  	[sflag:s24] =	ssyncadd.s32 @!p0 $0xFFFFC000  }
.Ltmp5:
0x3b: {  	(pc) =	sbr.rel .LBB2_3-.Ltmp5, $4  }
0x3c: {  	s24 =	sand.u32 $0x4000, s22  }
0x3d: {  	s22 =	sadd.s32 $0x4000, s22;
	s24 =	sor.u32 $0x1000, s24  }
0x3e: {  	[tilespmem:s24], [sflag:$0x1] =	stream.indirect.gather [hbm4b:s4+s16], $0x80, s21, s16, $0xb8;
	[tilespmem:$0x1D000] =	vst v63  }
0x3f: {  	s23 =	sadd.s32 $0xFFFFFFFF, s23;
	s20 =	sadd.s32 $0x80, s20;
	s21 =	sadd.s32 $0x80, s21  }
.LBB2_7:
0x40: {  	_ =	sfence.sel $0x180000  }
0x41: {  	[bflag:$0x0] =	sbarrier.arrive $0xFFFF  }
0x42: {  	p0 =	sne.s32 s1, $0x0;
	_ =	strace $0x9000004A  }
0x43: {  	s0 =	sadd.s32 @!p0 $0x100000, s0;
	[bflag:$0x2] =	sbarrier.arrive $0xFFFF  }
0x44: {  	[sflag:s0] =	ssyncadd.tile.s32 @!p0 $0x1;
	_ =	shalt  }
.Lfunc_end2:
_tile_overlayer_lowered:
.L_overlay_start_2:
0x45: {  	(tag) =	ssettag $0x2  }
0x46: {  	s0 =	rddreg [dreg:$0x0];
	s2 =	stileid.u32  }
0x47: {  	s1 =	rddreg [dreg:$0x1];
	p0 =	sne.s32 s2, $0x0  }
0x48: {  	s3 =	rddreg [dreg:$0x2];
	[bflag:$0x3] =	sbarrier.arrive $0xFFFF;
	s2 =	simm.s32 @!p0 $0x1C03  }
0x49: {  	[timem:s3], [sflag:s2] =	dma.local @!p0 [hbm:s0], s1  }
0x4a: {  	s0 =	simm.s32 @!p0 $0x3  }
0x4b: {  	_ =	swait.ge @!p0 [sflag:s0], s1  }
0x4c: {  	s1 =	ssub.s32 @!p0 $0x0, s1;
	[sflag:s0] =	ssyncset.done @!p0 $0x0  }
0x4d: {  	[sflag:s0] =	ssyncadd.s32 @!p0 s1  }
0x4e: {  	[bflag:$0x3] =	sbarrier.arrive $0xFFFF  }
0x4f: {  	_ =	shalt  }

// kernel: kernel.16.cloned.1.call-start
scs
__scs_entry_jumppad:
0x0: {  	(pc) =	sbr.rel $0x88, $3  }
0x1: {  	(tag) =	ssettag $0x0;
	lr =	simm.s32 $0x1  }
0x2: {  	[smem:$0x3F93] =	sst lr;
	_ =	strace $0xD0000000  }
0x3: {  	_ = 	snop  }
0x4: {  	_ = 	snop  }
0x5: {  	_ = 	snop  }
0x6: {  	_ = 	snop  }
0x7: {  	_ = 	snop  }
__scs_overlays_trampoline_lowered:
0x8: {  	[smem:$0x3FA2] =	sst s0  }
0x9: {  	[smem:$0x3FA3] =	sst s1  }
0xa: {  	[smem:$0x3FA4] =	sst s2  }
0xb: {  	[smem:$0x3FA5] =	sst s3  }
0xc: {  	[smem:$0x3FA6] =	sst s4  }
0xd: {  	[smem:$0x3FA7] =	sst s5  }
0xe: {  	[smem:$0x3FA8] =	sst s6  }
0xf: {  	[smem:$0x3FA9] =	sst s7  }
0x10: {  	[smem:$0x3FAA] =	sst s8  }
0x11: {  	[smem:$0x3FAB] =	sst s9;
	s0 =	simm.s32 @!p0 $0x0  }
0x12: {  	s1 =	sld [smem:$0x3F91];
	s0 =	simm.s32 @p0 $0x1  }
0x13: {  	[smem:$0x3FAC] =	sst s0;
	s0 =	simm.s32 @!p1 $0x0  }
0x14: {  	s2 =	sld [smem:$0x3F90];
	s0 =	simm.s32 @p1 $0x1  }
0x15: {  	[smem:$0x3FAD] =	sst s0;
	s0 =	simm.s32 @!p2 $0x0  }
0x16: {  	s3 =	sld [smem:$0x3FDB];
	s0 =	simm.s32 @p2 $0x1  }
0x17: {  	s4 =	simm.s32 $0x1BF5;
	[smem:$0x3FAF] =	sst s0  }
0x18: {  	s0 =	sld [smem:$0x3F92];
	_ =	swait.ge [sflag:s4], $0x0  }
0x19: {  	s7 =	sld [smem:$0x3F93]  }
0x1a: {  	s8 =	sadd.s32 $0xFFFFE003, lr  }
0x1b: {  	s9 =	sadd.s32 $0xFFFFFEF7, lr;
	s5 =	simm.s32 $0xFFFFFFFF;
	p2 =	slt.u32 s8, $0xFFFFF086  }
0x1c: {  	p1 =	slt.u32 s9, $0xF7A;
	s5 =	simm.s32 @!p2 $0x0  }
0x1d: {  	s5 =	simm.s32 @p1 $0x1;
	p0 =	seq.s32 s7, s2  }
0x1e: {  	s7 =	smul.u32 @!p0 $0xF7A, s2;
	p2 =	seq.s32 @!p0 s5, $0x0  }
0x1f: {  	s9 =	smul.u32 $0xF7A, s1;
	s8 =	simm.s32 @!p0 $0x1BF5;
	p2 =	por !p2, p0  }
0x20: {  	[sflag:s8] =	ssyncset.s32 @!p0 $0xFFFFF086;
	s6 =	sadd.s32 @!p0 s3, s7;
	s7 =	simm.s32 @!p0 $0x108  }
0x21: {  	s3 =	sadd.s32 s3, s9;
	s6 =	sadd.s32 @!p0 $0x88, s6;
	s7 =	simm.s32 @p2 $0x1082  }
0x22: {  	[simem:s7], [sflag:s8] =	dma.local @!p0 [hbm:s6], $0xF7A  }
0x23: {  	s9 =	sor.u32 $0xD0000000, s2;
	s6 =	simm.s32 $0x108;
	_ =	swait.ge @!p0 [sflag:s8], $0x0  }
0x24: {  	s3 =	sadd.s32 $0x88, s3;
	s6 =	simm.s32 @!p1 $0x1082;
	[sflag:s4] =	ssyncset.s32 $0xFFFFF086  }
0x25: {  	[simem:s6], [sflag:s4] =	dma.local [hbm:s3], $0xF7A  }
0x26: {  	[smem:$0x3F93] =	sst s1;
	(tag) =	ssettag s2;
	_ =	strace s9  }
0x27: {  	s1 =	sld [smem:$0x3FA3]  }
0x28: {  	s2 =	sld [smem:$0x3FA4]  }
0x29: {  	s4 =	sld [smem:$0x3FA6]  }
0x2a: {  	p0 =	seq.s32 s5, $0x0;
	s5 =	sld [smem:$0x3FA7]  }
0x2b: {  	s6 =	sld [smem:$0x3FA8]  }
0x2c: {  	s7 =	sld [smem:$0x3FA9]  }
0x2d: {  	s3 =	simm.s32 $0x108;
	s8 =	sld [smem:$0x3FAA]  }
0x2e: {  	s3 =	simm.s32 @!p0 $0x1082;
	s9 =	sld [smem:$0x3FAB]  }
0x2f: {  	lr =	sadd.s32 s0, s3;
	s0 =	sld [smem:$0x3FA2]  }
0x30: {  	s3 =	sld [smem:$0x3FA5]  }
0x31: {  	[smem:$0x3FAE] =	sst s10  }
0x32: {  	s10 =	sld [smem:$0x3FAC];
	_ =	sdelay $0x3  }
0x33: {  	p0 =	seq.s32 s10, $0x1;
	s10 =	sld [smem:$0x3FAE];
	_ =	sdelay $0x3  }
0x34: {  	[smem:$0x3FAE] =	sst s10  }
0x35: {  	s10 =	sld [smem:$0x3FAD];
	_ =	sdelay $0x3  }
0x36: {  	p1 =	seq.s32 s10, $0x1;
	s10 =	sld [smem:$0x3FAE];
	_ =	sdelay $0x3  }
0x37: {  	[smem:$0x3FAE] =	sst s10  }
0x38: {  	s10 =	sld [smem:$0x3FAF]  }
0x39: {  	_ = 	snop;
	(pc) =	sbr.ind lr, $3  }
0x3a: {  	_ = 	snop  }
0x3b: {  	_ = 	snop  }
0x3c: {  	p2 =	seq.s32 s10, $0x1;
	s10 =	sld [smem:$0x3FAE]  }
0x3d: {  	_ =	shalt  }
0x3e: {  	_ =	shalt  }
0x3f: {  	_ =	shalt  }
0x40: {  	_ =	shalt  }
0x41: {  	_ =	shalt  }
0x42: {  	_ =	shalt  }
0x43: {  	_ =	shalt  }
0x44: {  	_ =	shalt  }
0x45: {  	_ =	shalt  }
0x46: {  	_ =	shalt  }
0x47: {  	_ =	shalt  }
0x48: {  	_ =	shalt  }
0x49: {  	_ =	shalt  }
0x4a: {  	_ =	shalt  }
0x4b: {  	_ =	shalt  }
0x4c: {  	_ =	shalt  }
0x4d: {  	_ =	shalt  }
0x4e: {  	_ =	shalt  }
0x4f: {  	_ =	shalt  }
0x50: {  	_ =	shalt  }
0x51: {  	_ =	shalt  }
0x52: {  	_ =	shalt  }
0x53: {  	_ =	shalt  }
0x54: {  	_ =	shalt  }
0x55: {  	_ =	shalt  }
0x56: {  	_ =	shalt  }
0x57: {  	_ =	shalt  }
0x58: {  	_ =	shalt  }
0x59: {  	_ =	shalt  }
0x5a: {  	_ =	shalt  }
0x5b: {  	_ =	shalt  }
0x5c: {  	_ =	shalt  }
0x5d: {  	_ =	shalt  }
0x5e: {  	_ =	shalt  }
0x5f: {  	_ =	shalt  }
0x60: {  	_ =	shalt  }
0x61: {  	_ =	shalt  }
0x62: {  	_ =	shalt  }
0x63: {  	_ =	shalt  }
0x64: {  	_ =	shalt  }
0x65: {  	_ =	shalt  }
0x66: {  	_ =	shalt  }
0x67: {  	_ =	shalt  }
0x68: {  	_ =	shalt  }
0x69: {  	_ =	shalt  }
0x6a: {  	_ =	shalt  }
0x6b: {  	_ =	shalt  }
0x6c: {  	_ =	shalt  }
0x6d: {  	_ =	shalt  }
0x6e: {  	_ =	shalt  }
0x6f: {  	_ =	shalt  }
0x70: {  	_ =	shalt  }
0x71: {  	_ =	shalt  }
0x72: {  	_ =	shalt  }
0x73: {  	_ =	shalt  }
0x74: {  	_ =	shalt  }
0x75: {  	_ =	shalt  }
0x76: {  	_ =	shalt  }
0x77: {  	_ =	shalt  }
0x78: {  	_ =	shalt  }
0x79: {  	_ =	shalt  }
0x7a: {  	_ =	shalt  }
0x7b: {  	_ =	shalt  }
0x7c: {  	_ =	shalt  }
0x7d: {  	_ =	shalt  }
0x7e: {  	_ =	shalt  }
0x7f: {  	_ =	shalt  }
0x80: {  	_ =	shalt  }
0x81: {  	_ =	shalt  }
0x82: {  	_ =	shalt  }
0x83: {  	_ =	shalt  }
0x84: {  	_ =	shalt  }
0x85: {  	_ =	shalt  }
0x86: {  	_ =	shalt  }
0x87: {  	_ =	shalt  }
.Lfunc_end0:
.L_simem_size_0:
called_computation.2_lowered:
.L_overlay_start_0:
0x88: {  	s2 =	sld [smem:$0x3FD9]  }
0x89: {  	s3 =	sld [smem:$0x3FFE];
	_ =	sdelay $0x1  }
0x8a: {  	s1 =	srdreg.scid  }
0x8b: {  	s0 =	sand.u32 $0x1, s1  }
0x8c: {  	s16 =	sshll.u32 s0, $0xA;
	s2 =	sadd.s32 s3, s2  }
0x8d: {  	s2 =	sadd.s32 s2, s16  }
0x8e: {  	[smem:$0x3FBA] =	sst s2  }
0x8f: {  	_ = 	snop  }
0x90: {  	(tm) =	ssettm $0x1  }
0x91: {  	s17 =	sld [smem:$0x3FFB];
	_ =	sdelay $0x3  }
0x92: {  	_ =	strace s17  }
0x93: {  	s2 =	sld [smem:$0x3FFC];
	_ =	sdelay $0x3  }
0x94: {  	_ =	strace s2  }
0x95: {  	s2 =	sld [smem:$0x3FFD];
	_ =	sdelay $0x3  }
0x96: {  	_ =	strace s2  }
0x97: {  	_ =	strace $0x8FFFFFFF  }
0x98: {  	s18 =	sld [smem:$0x3FDB];
	_ =	sdelay $0x1  }
0x99: {  	s19 =	simm.s32 $_scs_section_size  }
0x9a: {  	s4 =	simm.s32 $_size__tile_overlayer_lowered;
	s5 =	simm.s32 $_tile_overlayer_lowered  }
0x9b: {  	s22 =	simm.s32 $0x1BFF;
	s21 =	sshll.u32 s5, $0x1;
	s2 =	sadd.s32 s19, s18  }
0x9c: {  	s6 =	simm.s32 $0x0;
	s20 =	sshll.u32 s4, $0x1;
	s4 =	sadd.s32 s21, s2  }
0x9d: {  	[timem:s6], [sflag:s22] =	dma.local [hbm:s4], s20  }
0x9e: {  	_ =	swait.ge [sflag:s22], s20  }
0x9f: {  	s3 =	ssub.s32 $0x0, s20;
	[sflag:s22] =	ssyncset.done $0x0  }
0xa0: {  	[sflag:s22] =	ssyncadd.s32 s3;
	_ =	sdelay $0x1  }
0xa1: {  	s23 =	simm.s32 $0x1B8B  }
0xa2: {  	_ =	swait.ge [sflag:s23], $0x1  }
0xa3: {  	[sflag:s23] =	ssyncset.done $0x0  }
0xa4: {  	s25 =	simm.s32 $0x1B8E;
	s24 =	sld [smem:$0x3FFE];
	[sflag:s23] =	ssyncadd.s32 $0xFFFFFFFF  }
0xa5: {  	s26 =	simm.s32 $execute0_lowered;
	[smem:$0x3FD2] =	sst s25  }
0xa6: {  	s4 =	sshll.u32 s26, $0x1;
	_ =	strace $0x8000004C;
	[dreg:$0x1] =	wrdreg $0xFFFFFFFF  }
0xa7: {  	s28 =	simm.s32 $_size_execute0_lowered;
	s2 =	sadd.s32 s2, s4;
	[dreg:$0x0] =	wrdreg $0x0  }
0xa8: {  	s4 =	sshll.u32 s28, $0x1;
	[dreg:$0x2] =	wrdreg s2  }
0xa9: {  	[dreg:$0x3] =	wrdreg s4  }
0xaa: {  	[dreg:$0x4] =	wrdreg $0xC0  }
0xab: {  	_ =	task [dreg:s6], $0x5FFFF  }
0xac: {  	[dreg:$0x1] =	wrdreg $0xFFFFFFFF  }
0xad: {  	[dreg:$0x0] =	wrdreg $0x60  }
0xae: {  	[dreg:$0x2] =	wrdreg s24  }
0xaf: {  	[dreg:$0x3] =	wrdreg $0x90000  }
0xb0: {  	[dreg:$0x4] =	wrdreg $0x9  }
0xb1: {  	_ =	task.clear_ibuf [dreg:s6], $0x5FFFF;
	_ =	strace $0x9000004C  }
0xb2: {  	s29 =	simm.s32 $0x9;
	_ =	strace $0x8000004E  }
0xb3: {  	_ =	swait.ge [sflag:s29], $0x1  }
0xb4: {  	[sflag:s29] =	ssyncadd.s32 $0xFFFFFFFF  }
0xb5: {  	_ =	strace $0x9000004E  }
0xb6: {  	_ =	sfence  }
0xb7: {  	s30 =	sld [smem:$0x0];
	_ =	sdelay $0x2  }
0xb8: {  	s31 =	sshll.u32 s1, $0xD;
	s1 =	sshrl.u32 s1, $0x2  }
0xb9: {  	s3 =	sand.u32 $0x4000, s31;
	s1 =	sadd.s32 s1, s30  }
0xba: {  	s0 =	sor.u32 s3, s0;
	s1 =	sshll.u32 s1, $0x11  }
0xbb: {  	s0 =	sor.u32 s1, s0  }
0xbc: {  	s0 =	sadd.s32 $0x8F2B, s0  }
0xbd: {  	[sflag:s0] =	ssyncadd.remote.s32 $0x1  }
0xbe: {  	_ =	sfence.sel $0xFFFF  }
0xbf: {  	[dreg:$0x0] =	wrdreg $0xFFFFFFFF;
	(pc) =	sbr.abs _section_cstart, $3  }
0xc0: {  	[dreg:$0x1] =	wrdreg $0xFFFFFFFF  }
0xc1: {  	_ =	task.clear_ibuf [dreg:s6], $0x2FFFF;
	_ =	strace $0x9FFFFFFF  }
0xc2: {  	(tm) =	ssettm $0x7FFFFFFF  }
0xc3: {  	_ =	shalt  }
tec
execute0_lowered:
.L_overlay_start_1:
0x0: {  	(tag) =	ssettag $0x1  }
0x1: {  	s7 =	rddreg [dreg:$0x0]  }
0x2: {  	s2 =	rddreg [dreg:$0x1]  }
0x3: {  	s0 =	rddreg [dreg:$0x2]  }
0x4: {  	s1 =	stileid.u32;
	s4 =	srdreg.scid  }
0x5: {  	s3 =	simm.s32 $0x0;
	s15 =	simm.s32 $0x1;
	s16 =	simm.s32 $0x80  }
0x6: {  	s17 =	simm.s32 $0x2;
	s18 =	simm.s32 $0x0;
	s8 =	smul.u32 $0x14000, s1  }
0x7: {  	s9 =	sand.u32 $0x1, s4;
	[smem:$0x7FF] =	sst s3;
	s4 =	sadd.s32 $0x9AE00, s7  }
0x8: {  	s5 =	sadd.s32 $0xE600, s7;
	s6 =	sadd.s32 $0x4600, s7;
	s12 =	smul.u32 $0x50000, s1  }
0x9: {  	s31 =	sshll.u32 s1, $0x6;
	s10 =	smul.u32 $0x140000, s9;
	_ =	strace $0x8000004D  }
0xa: {  	s26 =	ssub.s32 $0x2, s9;
	s29 =	sshll.u32 s9, $0x4;
	s11 =	sshrl.u32 s8, $0x3  }
0xb: {  	s28 =	sshrl.u32 s26, $0x1;
	s30 =	sshrl.u32 s12, $0x2;
	s9 =	sor.u32 s1, s29  }
.Ltmp0:
0xc: {  	s8 =	sadd.s32 s8, s10;
	s11 =	sadd.s32 s11, s7;
	(pc) =	sbr.rel .LBB2_1-.Ltmp0, $4  }
0xd: {  	s14 =	ssub.s32 s26, s28;
	s12 =	sadd.s32 s30, s2;
	s8 =	sshrl.u32 s8, $0x3  }
0xe: {  	s9 =	smul.u32 $0x2800, s9;
	s12 =	sshrl.u32 s12, $0x3;
	s13 =	sadd.s32 s8, s7  }
0xf: {  	s7 =	sadd.s32 $0x22600, s11;
	s8 =	sor.u32 $0x1C03, s31;
	s11 =	smax.u32 s14, $0x1  }
0x10: {  	s14 =	simm.s32 $0x1000;
	s10 =	sadd.s32 $0xC2000, s13;
	s13 =	simm.s32 $0x3  }
.LBB2_6:
0x11: {  	s18 =	sadd.s32 $0x1, s18  }
0x12: {  	p0 =	sne.s32 s18, s11  }
.Ltmp1:
0x13: {  	[bflag:$0x0] =	sbarrier.arrive $0xFFFF;
	(pc) =	sbr.rel @!p0 .LBB2_7-.Ltmp1, $4  }
0x14: {  	[hbm:s10], [sflag:s8] =	dma.local [spmem:s12], $0x2800  }
0x15: {  	_ =	swait.ge [sflag:s13], $0x2800  }
0x16: {  	[sflag:s13] =	ssyncset.done $0x0  }
0x17: {  	[sflag:s13] =	ssyncadd.s32 $0xFFFFD800  }
.LBB2_1:
0x18: {  	[spmem:s12], [sflag:s8] =	dma.local [hbm:s7], $0x2800  }
.Ltmp2:
0x19: {  	_ =	swait.ge [sflag:s13], $0x2800;
	(pc) =	sbr.rel .LBB2_2-.Ltmp2, $4  }
0x1a: {  	[sflag:s13] =	ssyncset.done $0x0  }
0x1b: {  	[sflag:s13] =	ssyncadd.s32 $0xFFFFD800  }
0x1c: {  	[bflag:$0x0] =	sbarrier.arrive $0xFFFF  }
0x1d: {  	s19 =	simm.s32 $0x0  }
.LBB2_5:
0x1e: {  	s19 =	sadd.s32 $0x1, s19  }
0x1f: {  	p0 =	sne.s32 s19, $0x5  }
.Ltmp3:
0x20: {  	_ = 	snop;
	(pc) =	sbr.rel @!p0 .LBB2_6-.Ltmp3, $4  }
0x21: {  	_ = 	snop  }
0x22: {  	_ =	swait.ge [sflag:s17], $0x4000  }
0x23: {  	[sflag:s17] =	ssyncset.done $0x0  }
0x24: {  	[sflag:s17] =	ssyncadd.s32 $0xFFFFC000  }
.LBB2_2:
0x25: {  	s20 =	sshll.u32 s19, $0xB  }
0x26: {  	s20 =	sadd.s32 s9, s20  }
0x27: {  	s20 =	sshrl.u32 s20, $0x3  }
0x28: {  	s21 =	sadd.s32 s5, s20  }
0x29: {  	[tilespmem:s3], [sflag:$0x3] =	stream.linear.gather [hbm4b:s21+s3], $0x800, $0x38;
	[tilespmem:$0x1D000] =	vst v63  }
0x2a: {  	_ =	swait.ge [sflag:s13], $0x800  }
0x2b: {  	[sflag:s13] =	ssyncset.done $0x0  }
0x2c: {  	s31 =	sadd.s32 s6, s20;
	s20 =	simm.s32 $0x800;
	[sflag:s13] =	ssyncadd.s32 $0xFFFFF800  }
0x2d: {  	[tilespmem:s20], [sflag:$0x3] =	stream.linear.gather [hbm4b:s31+s3], $0x800, $0x38;
	[tilespmem:$0x1D000] =	vst v63  }
0x2e: {  	_ =	swait.ge [sflag:s13], $0x800  }
0x2f: {  	s22 =	simm.s32 $0x4000;
	[sflag:s13] =	ssyncset.done $0x0  }
0x30: {  	s23 =	simm.s32 $0xF;
	s21 =	simm.s32 $0x80;
	[sflag:s13] =	ssyncadd.s32 $0xFFFFF800  }
0x31: {  	[tilespmem:s14], [sflag:$0x1] =	stream.indirect.gather [hbm4b:s4+s21], $0x80, s3, s21, $0xb8;
	[tilespmem:$0x1D000] =	vst v63  }
.LBB2_3:
0x32: {  	s24 =	sadd.s32 $0xFFFFC000, s22;
	_ =	swait.ge [sflag:s15], $0x4000;
	p0 =	seq.s32 s23, $0xF  }
0x33: {  	s24 =	sand.u32 $0x4000, s24;
	[sflag:s15] =	ssyncset.done $0x0;
	p1 =	seq.s32 @!p0 s23, $0x0  }
0x34: {  	s24 =	sor.u32 $0x1000, s24;
	[sflag:s15] =	ssyncadd.s32 $0xFFFFC000;
	p1 =	por p0, !p1  }
0x35: {  	[spmem:s2] =	stream.indirect.scatter.add.f32 [tilespmem:s24], [sflag:$0x2], $0x80, s20, s16, $0xb8;
	[tilespmem:$0x1D000] =	vst v63  }
.Ltmp4:
0x36: {  	_ = 	snop;
	(pc) =	sbr.rel @!p1 .LBB2_5-.Ltmp4, $4  }
0x37: {  	s24 =	simm.s32 @!p0 $0x2  }
0x38: {  	_ =	swait.ge @!p0 [sflag:s24], $0x4000  }
0x39: {  	[sflag:s24] =	ssyncset.done @!p0 $0x0  }
0x3a: {  	[sflag:s24] =	ssyncadd.s32 @!p0 $0xFFFFC000  }
.Ltmp5:
0x3b: {  	(pc) =	sbr.rel .LBB2_3-.Ltmp5, $4  }
0x3c: {  	s24 =	sand.u32 $0x4000, s22  }
0x3d: {  	s22 =	sadd.s32 $0x4000, s22;
	s24 =	sor.u32 $0x1000, s24  }
0x3e: {  	[tilespmem:s24], [sflag:$0x1] =	stream.indirect.gather [hbm4b:s4+s16], $0x80, s21, s16, $0xb8;
	[tilespmem:$0x1D000] =	vst v63  }
0x3f: {  	s23 =	sadd.s32 $0xFFFFFFFF, s23;
	s20 =	sadd.s32 $0x80, s20;
	s21 =	sadd.s32 $0x80, s21  }
.LBB2_7:
0x40: {  	_ =	sfence.sel $0x180000  }
0x41: {  	[bflag:$0x0] =	sbarrier.arrive $0xFFFF  }
0x42: {  	p0 =	sne.s32 s1, $0x0;
	_ =	strace $0x9000004D  }
0x43: {  	s0 =	sadd.s32 @!p0 $0x100000, s0;
	[bflag:$0x2] =	sbarrier.arrive $0xFFFF  }
0x44: {  	[sflag:s0] =	ssyncadd.tile.s32 @!p0 $0x1;
	_ =	shalt  }
.Lfunc_end2:
_tile_overlayer_lowered:
.L_overlay_start_2:
0x45: {  	(tag) =	ssettag $0x2  }
0x46: {  	s0 =	rddreg [dreg:$0x0];
	s2 =	stileid.u32  }
0x47: {  	s1 =	rddreg [dreg:$0x1];
	p0 =	sne.s32 s2, $0x0  }
0x48: {  	s3 =	rddreg [dreg:$0x2];
	[bflag:$0x3] =	sbarrier.arrive $0xFFFF;
	s2 =	simm.s32 @!p0 $0x1C03  }
0x49: {  	[timem:s3], [sflag:s2] =	dma.local @!p0 [hbm:s0], s1  }
0x4a: {  	s0 =	simm.s32 @!p0 $0x3  }
0x4b: {  	_ =	swait.ge @!p0 [sflag:s0], s1  }
0x4c: {  	s1 =	ssub.s32 @!p0 $0x0, s1;
	[sflag:s0] =	ssyncset.done @!p0 $0x0  }
0x4d: {  	[sflag:s0] =	ssyncadd.s32 @!p0 s1  }
0x4e: {  	[bflag:$0x3] =	sbarrier.arrive $0xFFFF  }
0x4f: {  	_ =	shalt  }

// kernel: kernel.19.cloned.1.call-start
scs
__scs_entry_jumppad:
0x0: {  	(pc) =	sbr.rel $0x88, $3  }
0x1: {  	(tag) =	ssettag $0x0;
	lr =	simm.s32 $0x1  }
0x2: {  	[smem:$0x3F93] =	sst lr;
	_ =	strace $0xD0000000  }
0x3: {  	_ = 	snop  }
0x4: {  	_ = 	snop  }
0x5: {  	_ = 	snop  }
0x6: {  	_ = 	snop  }
0x7: {  	_ = 	snop  }
__scs_overlays_trampoline_lowered:
0x8: {  	[smem:$0x3FA2] =	sst s0  }
0x9: {  	[smem:$0x3FA3] =	sst s1  }
0xa: {  	[smem:$0x3FA4] =	sst s2  }
0xb: {  	[smem:$0x3FA5] =	sst s3  }
0xc: {  	[smem:$0x3FA6] =	sst s4  }
0xd: {  	[smem:$0x3FA7] =	sst s5  }
0xe: {  	[smem:$0x3FA8] =	sst s6  }
0xf: {  	[smem:$0x3FA9] =	sst s7  }
0x10: {  	[smem:$0x3FAA] =	sst s8  }
0x11: {  	[smem:$0x3FAB] =	sst s9;
	s0 =	simm.s32 @!p0 $0x0  }
0x12: {  	s1 =	sld [smem:$0x3F91];
	s0 =	simm.s32 @p0 $0x1  }
0x13: {  	[smem:$0x3FAC] =	sst s0;
	s0 =	simm.s32 @!p1 $0x0  }
0x14: {  	s2 =	sld [smem:$0x3F90];
	s0 =	simm.s32 @p1 $0x1  }
0x15: {  	[smem:$0x3FAD] =	sst s0;
	s0 =	simm.s32 @!p2 $0x0  }
0x16: {  	s3 =	sld [smem:$0x3FDB];
	s0 =	simm.s32 @p2 $0x1  }
0x17: {  	s4 =	simm.s32 $0x1BF5;
	[smem:$0x3FAF] =	sst s0  }
0x18: {  	s0 =	sld [smem:$0x3F92];
	_ =	swait.ge [sflag:s4], $0x0  }
0x19: {  	s7 =	sld [smem:$0x3F93]  }
0x1a: {  	s8 =	sadd.s32 $0xFFFFE003, lr  }
0x1b: {  	s9 =	sadd.s32 $0xFFFFFEF7, lr;
	s5 =	simm.s32 $0xFFFFFFFF;
	p2 =	slt.u32 s8, $0xFFFFF086  }
0x1c: {  	p1 =	slt.u32 s9, $0xF7A;
	s5 =	simm.s32 @!p2 $0x0  }
0x1d: {  	s5 =	simm.s32 @p1 $0x1;
	p0 =	seq.s32 s7, s2  }
0x1e: {  	s7 =	smul.u32 @!p0 $0xF7A, s2;
	p2 =	seq.s32 @!p0 s5, $0x0  }
0x1f: {  	s9 =	smul.u32 $0xF7A, s1;
	s8 =	simm.s32 @!p0 $0x1BF5;
	p2 =	por !p2, p0  }
0x20: {  	[sflag:s8] =	ssyncset.s32 @!p0 $0xFFFFF086;
	s6 =	sadd.s32 @!p0 s3, s7;
	s7 =	simm.s32 @!p0 $0x108  }
0x21: {  	s3 =	sadd.s32 s3, s9;
	s6 =	sadd.s32 @!p0 $0x88, s6;
	s7 =	simm.s32 @p2 $0x1082  }
0x22: {  	[simem:s7], [sflag:s8] =	dma.local @!p0 [hbm:s6], $0xF7A  }
0x23: {  	s9 =	sor.u32 $0xD0000000, s2;
	s6 =	simm.s32 $0x108;
	_ =	swait.ge @!p0 [sflag:s8], $0x0  }
0x24: {  	s3 =	sadd.s32 $0x88, s3;
	s6 =	simm.s32 @!p1 $0x1082;
	[sflag:s4] =	ssyncset.s32 $0xFFFFF086  }
0x25: {  	[simem:s6], [sflag:s4] =	dma.local [hbm:s3], $0xF7A  }
0x26: {  	[smem:$0x3F93] =	sst s1;
	(tag) =	ssettag s2;
	_ =	strace s9  }
0x27: {  	s1 =	sld [smem:$0x3FA3]  }
0x28: {  	s2 =	sld [smem:$0x3FA4]  }
0x29: {  	s4 =	sld [smem:$0x3FA6]  }
0x2a: {  	p0 =	seq.s32 s5, $0x0;
	s5 =	sld [smem:$0x3FA7]  }
0x2b: {  	s6 =	sld [smem:$0x3FA8]  }
0x2c: {  	s7 =	sld [smem:$0x3FA9]  }
0x2d: {  	s3 =	simm.s32 $0x108;
	s8 =	sld [smem:$0x3FAA]  }
0x2e: {  	s3 =	simm.s32 @!p0 $0x1082;
	s9 =	sld [smem:$0x3FAB]  }
0x2f: {  	lr =	sadd.s32 s0, s3;
	s0 =	sld [smem:$0x3FA2]  }
0x30: {  	s3 =	sld [smem:$0x3FA5]  }
0x31: {  	[smem:$0x3FAE] =	sst s10  }
0x32: {  	s10 =	sld [smem:$0x3FAC];
	_ =	sdelay $0x3  }
0x33: {  	p0 =	seq.s32 s10, $0x1;
	s10 =	sld [smem:$0x3FAE];
	_ =	sdelay $0x3  }
0x34: {  	[smem:$0x3FAE] =	sst s10  }
0x35: {  	s10 =	sld [smem:$0x3FAD];
	_ =	sdelay $0x3  }
0x36: {  	p1 =	seq.s32 s10, $0x1;
	s10 =	sld [smem:$0x3FAE];
	_ =	sdelay $0x3  }
0x37: {  	[smem:$0x3FAE] =	sst s10  }
0x38: {  	s10 =	sld [smem:$0x3FAF]  }
0x39: {  	_ = 	snop;
	(pc) =	sbr.ind lr, $3  }
0x3a: {  	_ = 	snop  }
0x3b: {  	_ = 	snop  }
0x3c: {  	p2 =	seq.s32 s10, $0x1;
	s10 =	sld [smem:$0x3FAE]  }
0x3d: {  	_ =	shalt  }
0x3e: {  	_ =	shalt  }
0x3f: {  	_ =	shalt  }
0x40: {  	_ =	shalt  }
0x41: {  	_ =	shalt  }
0x42: {  	_ =	shalt  }
0x43: {  	_ =	shalt  }
0x44: {  	_ =	shalt  }
0x45: {  	_ =	shalt  }
0x46: {  	_ =	shalt  }
0x47: {  	_ =	shalt  }
0x48: {  	_ =	shalt  }
0x49: {  	_ =	shalt  }
0x4a: {  	_ =	shalt  }
0x4b: {  	_ =	shalt  }
0x4c: {  	_ =	shalt  }
0x4d: {  	_ =	shalt  }
0x4e: {  	_ =	shalt  }
0x4f: {  	_ =	shalt  }
0x50: {  	_ =	shalt  }
0x51: {  	_ =	shalt  }
0x52: {  	_ =	shalt  }
0x53: {  	_ =	shalt  }
0x54: {  	_ =	shalt  }
0x55: {  	_ =	shalt  }
0x56: {  	_ =	shalt  }
0x57: {  	_ =	shalt  }
0x58: {  	_ =	shalt  }
0x59: {  	_ =	shalt  }
0x5a: {  	_ =	shalt  }
0x5b: {  	_ =	shalt  }
0x5c: {  	_ =	shalt  }
0x5d: {  	_ =	shalt  }
0x5e: {  	_ =	shalt  }
0x5f: {  	_ =	shalt  }
0x60: {  	_ =	shalt  }
0x61: {  	_ =	shalt  }
0x62: {  	_ =	shalt  }
0x63: {  	_ =	shalt  }
0x64: {  	_ =	shalt  }
0x65: {  	_ =	shalt  }
0x66: {  	_ =	shalt  }
0x67: {  	_ =	shalt  }
0x68: {  	_ =	shalt  }
0x69: {  	_ =	shalt  }
0x6a: {  	_ =	shalt  }
0x6b: {  	_ =	shalt  }
0x6c: {  	_ =	shalt  }
0x6d: {  	_ =	shalt  }
0x6e: {  	_ =	shalt  }
0x6f: {  	_ =	shalt  }
0x70: {  	_ =	shalt  }
0x71: {  	_ =	shalt  }
0x72: {  	_ =	shalt  }
0x73: {  	_ =	shalt  }
0x74: {  	_ =	shalt  }
0x75: {  	_ =	shalt  }
0x76: {  	_ =	shalt  }
0x77: {  	_ =	shalt  }
0x78: {  	_ =	shalt  }
0x79: {  	_ =	shalt  }
0x7a: {  	_ =	shalt  }
0x7b: {  	_ =	shalt  }
0x7c: {  	_ =	shalt  }
0x7d: {  	_ =	shalt  }
0x7e: {  	_ =	shalt  }
0x7f: {  	_ =	shalt  }
0x80: {  	_ =	shalt  }
0x81: {  	_ =	shalt  }
0x82: {  	_ =	shalt  }
0x83: {  	_ =	shalt  }
0x84: {  	_ =	shalt  }
0x85: {  	_ =	shalt  }
0x86: {  	_ =	shalt  }
0x87: {  	_ =	shalt  }
.Lfunc_end0:
.L_simem_size_0:
called_computation.3_lowered:
.L_overlay_start_0:
0x88: {  	s2 =	sld [smem:$0x3FD9]  }
0x89: {  	s3 =	sld [smem:$0x3FFE];
	_ =	sdelay $0x1  }
0x8a: {  	s1 =	srdreg.scid  }
0x8b: {  	s0 =	sand.u32 $0x1, s1  }
0x8c: {  	s17 =	sshll.u32 s0, $0xA;
	s2 =	sadd.s32 s3, s2  }
0x8d: {  	s2 =	sadd.s32 s2, s17  }
0x8e: {  	[smem:$0x3FBA] =	sst s2  }
0x8f: {  	_ = 	snop  }
0x90: {  	(tm) =	ssettm $0x1  }
0x91: {  	s18 =	sld [smem:$0x3FFB];
	_ =	sdelay $0x3  }
0x92: {  	_ =	strace s18  }
0x93: {  	s2 =	sld [smem:$0x3FFC];
	_ =	sdelay $0x3  }
0x94: {  	_ =	strace s2  }
0x95: {  	s2 =	sld [smem:$0x3FFD];
	_ =	sdelay $0x3  }
0x96: {  	_ =	strace s2  }
0x97: {  	_ =	strace $0x8FFFFFFF  }
0x98: {  	s19 =	sld [smem:$0x3FDB];
	_ =	sdelay $0x1  }
0x99: {  	s20 =	simm.s32 $_scs_section_size  }
0x9a: {  	s4 =	simm.s32 $_size__tile_overlayer_lowered;
	s5 =	simm.s32 $_tile_overlayer_lowered  }
0x9b: {  	s6 =	simm.s32 $0x1BFF;
	s21 =	sshll.u32 s5, $0x1;
	s3 =	sadd.s32 s20, s19  }
0x9c: {  	s22 =	simm.s32 $0x0;
	s4 =	sshll.u32 s4, $0x1;
	s5 =	sadd.s32 s21, s3  }
0x9d: {  	[timem:s22], [sflag:s6] =	dma.local [hbm:s5], s4  }
0x9e: {  	_ =	swait.ge [sflag:s6], s4  }
0x9f: {  	s4 =	ssub.s32 $0x0, s4;
	[sflag:s6] =	ssyncset.done $0x0  }
0xa0: {  	[sflag:s6] =	ssyncadd.s32 s4;
	_ =	sdelay $0x1  }
0xa1: {  	s23 =	simm.s32 $0x1B8B  }
0xa2: {  	_ =	swait.ge [sflag:s23], $0x1  }
0xa3: {  	[sflag:s23] =	ssyncset.done $0x0  }
0xa4: {  	[sflag:s23] =	ssyncadd.s32 $0xFFFFFFFF  }
0xa5: {  	s4 =	sld [smem:$0x0]  }
0xa6: {  	s5 =	sand.u32 $0xFFFFFFFE, s1  }
0xa7: {  	p0 =	sne.s32 s1, s5  }
0xa8: {  	s5 =	sshll.u32 @p0 s5, $0xE  }
0xa9: {  	s5 =	sadd.s32 @p0 $0x11B8D, s5;
	s6 =	sshll.u32 @p0 s4, $0x11  }
0xaa: {  	s5 =	sor.u32 @p0 s6, s5  }
0xab: {  	[sflag:s5] =	ssyncadd.remote.s32 @p0 $0x1;
	_ =	sdelay $0x1  }
0xac: {  	s5 =	simm.s32 @p0 $0x1B8D  }
0xad: {  	_ =	swait.eq @p0 [sflag:s5], $0x1  }
0xae: {  	[sflag:s5] =	ssyncadd.s32 @p0 $0xFFFFFFFF  }
0xaf: {  	s6 =	sshll.u32 @!p0 s1, $0xE  }
0xb0: {  	s6 =	sor.u32 @!p0 $0x4000, s6;
	s5 =	simm.s32 @!p0 $0x1B8D  }
0xb1: {  	s4 =	sshll.u32 @!p0 s4, $0x11;
	s6 =	sadd.s32 @!p0 $0x11B8D, s6;
	_ =	swait.eq @!p0 [sflag:s5], $0x1  }
0xb2: {  	s4 =	sor.u32 @!p0 s4, s6;
	[sflag:s5] =	ssyncadd.s32 @!p0 $0xFFFFFFFF  }
0xb3: {  	s25 =	simm.s32 $0x1B8E;
	s24 =	sld [smem:$0x3FFE];
	[sflag:s4] =	ssyncadd.remote.s32 @!p0 $0x1  }
0xb4: {  	s26 =	simm.s32 $execute0_lowered;
	[smem:$0x3FD2] =	sst s25  }
0xb5: {  	s5 =	sshll.u32 s26, $0x1;
	_ =	strace $0x8000004F;
	[dreg:$0x1] =	wrdreg $0xFFFFFFFF  }
0xb6: {  	s28 =	simm.s32 $_size_execute0_lowered;
	s3 =	sadd.s32 s3, s5;
	[dreg:$0x0] =	wrdreg $0x0  }
0xb7: {  	s5 =	sshll.u32 s28, $0x1;
	[dreg:$0x2] =	wrdreg s3  }
0xb8: {  	[dreg:$0x3] =	wrdreg s5  }
0xb9: {  	[dreg:$0x4] =	wrdreg $0xC0  }
0xba: {  	_ =	task [dreg:s22], $0x5FFFF  }
0xbb: {  	[dreg:$0x1] =	wrdreg $0xFFFFFFFF  }
0xbc: {  	[dreg:$0x0] =	wrdreg $0x60  }
0xbd: {  	[dreg:$0x2] =	wrdreg s24  }
0xbe: {  	[dreg:$0x3] =	wrdreg $0x68000  }
0xbf: {  	[dreg:$0x4] =	wrdreg $0xA  }
0xc0: {  	_ =	task.clear_ibuf [dreg:s22], $0x5FFFF;
	_ =	strace $0x9000004F  }
0xc1: {  	s29 =	simm.s32 $0xA;
	_ =	strace $0x80000051  }
0xc2: {  	_ =	swait.ge [sflag:s29], $0x1  }
0xc3: {  	[sflag:s29] =	ssyncadd.s32 $0xFFFFFFFF  }
0xc4: {  	_ =	strace $0x90000051  }
0xc5: {  	_ =	sfence  }
0xc6: {  	s30 =	sld [smem:$0x0];
	_ =	sdelay $0x2  }
0xc7: {  	s31 =	sshll.u32 s1, $0xD;
	s1 =	sshrl.u32 s1, $0x2  }
0xc8: {  	s4 =	sand.u32 $0x4000, s31;
	s1 =	sadd.s32 s1, s30  }
0xc9: {  	s0 =	sor.u32 s4, s0;
	s1 =	sshll.u32 s1, $0x11  }
0xca: {  	s0 =	sor.u32 s1, s0  }
0xcb: {  	s0 =	sadd.s32 $0x8F2B, s0  }
0xcc: {  	[sflag:s0] =	ssyncadd.remote.s32 $0x1  }
0xcd: {  	_ =	sfence.sel $0xFFFF  }
0xce: {  	[dreg:$0x0] =	wrdreg $0xFFFFFFFF;
	(pc) =	sbr.abs _section_cstart, $3  }
0xcf: {  	[dreg:$0x1] =	wrdreg $0xFFFFFFFF  }
0xd0: {  	_ =	task.clear_ibuf [dreg:s22], $0x2FFFF;
	_ =	strace $0x9FFFFFFF  }
0xd1: {  	(tm) =	ssettm $0x7FFFFFFF  }
tec
execute0_lowered:
.L_overlay_start_1:
0x0: {  	(tag) =	ssettag $0x1  }
0x1: {  	s6 =	rddreg [dreg:$0x0]  }
0x2: {  	s0 =	srdreg.scid;
	s2 =	rddreg [dreg:$0x1]  }
0x3: {  	s3 =	simm.s32 $0x0;
	s5 =	sand.u32 $0x1, s0;
	s0 =	stileid.u32  }
0x4: {  	s14 =	simm.s32 $0x1;
	s15 =	simm.s32 $0x0;
	s7 =	smul.u32 $0x14000, s0  }
0x5: {  	[smem:$0x7FF] =	sst s3;
	s1 =	sshll.u32 s5, $0x4;
	s8 =	smul.u32 $0x140000, s5  }
0x6: {  	s5 =	ssub.s32 $0x2, s5;
	s28 =	smul.u32 $0x50000, s0;
	s1 =	sor.u32 s0, s1  }
0x7: {  	s31 =	sshll.u32 s0, $0x6;
	s29 =	sshrl.u32 s5, $0x1;
	s4 =	smul.u32 $0x500, s1  }
0x8: {  	s1 =	rddreg [dreg:$0x2];
	_ =	strace $0x80000050;
	s10 =	sshrl.u32 s7, $0x3  }
0x9: {  	s7 =	sadd.s32 s7, s8;
	s12 =	ssub.s32 s5, s29;
	s30 =	sshrl.u32 s28, $0x2  }
0xa: {  	s7 =	sshrl.u32 s7, $0x3;
	s10 =	sadd.s32 s10, s6;
	s13 =	sadd.s32 s30, s2  }
0xb: {  	s9 =	sadd.s32 s4, s6;
	s4 =	sadd.s32 $0x4A600, s6;
	s11 =	sadd.s32 s7, s6  }
0xc: {  	s5 =	sadd.s32 $0x22600, s10;
	s6 =	sor.u32 $0x1C02, s31;
	s10 =	sshrl.u32 s13, $0x3  }
0xd: {  	s13 =	simm.s32 $0x80;
	s7 =	sadd.s32 $0x18600, s9;
	s8 =	sadd.s32 $0x112000, s11  }
0xe: {  	s9 =	smax.u32 s12, $0x1;
	s11 =	simm.s32 $0x2;
	s12 =	simm.s32 $0x2800  }
.LBB2_1:
0xf: {  	[spmem:s10], [sflag:s6] =	dma.local [hbm:s5], $0x2800  }
0x10: {  	_ =	swait.ge [sflag:s11], $0x2800  }
0x11: {  	[sflag:s11] =	ssyncset.done $0x0  }
0x12: {  	[sflag:s11] =	ssyncadd.s32 $0xFFFFD800  }
0x13: {  	[tilespmem:s3], [sflag:$0x2] =	stream.linear.gather [hbm4b:s7+s3], $0x2800, $0x38;
	[tilespmem:$0x1A800] =	vst v63  }
0x14: {  	_ =	swait.ge [sflag:s11], $0x2800  }
0x15: {  	[sflag:s11] =	ssyncset.done $0x0  }
0x16: {  	[sflag:s11] =	ssyncadd.s32 $0xFFFFD800  }
0x17: {  	[tilespmem:s12], [sflag:$0x2] =	stream.linear.gather [hbm4b:s4+s3], $0x4000, $0x38;
	[tilespmem:$0x1A800] =	vst v63  }
0x18: {  	_ =	swait.ge [sflag:s11], $0x4000  }
0x19: {  	[sflag:s11] =	ssyncset.done $0x0  }
0x1a: {  	[sflag:s11] =	ssyncadd.s32 $0xFFFFC000  }
0x1b: {  	s16 =	simm.s32 $0x0;
	[bflag:$0x0] =	sbarrier.arrive $0xFFFF  }
.LBB2_2:
0x1c: {  	p0 =	sne.s32 s16, $0x9E00  }
.Ltmp0:
0x1d: {  	_ = 	snop;
	(pc) =	sbr.rel @p0 .LBB2_2-.Ltmp0, $3  }
0x1e: {  	_ =	sdelay $0x1  }
0x1f: {  	s17 =	sshra.s32 s16, $0x2;
	s16 =	sadd.s32 $0x200, s16  }
0x20: {  	[spmem:s2] =	stream.indirect.scatter.add.f32 [tilespmem:s12], [sflag:$0x1], $0x80, s17, s13, $0xb8;
	[tilespmem:$0x1A800] =	vst v63  }
0x21: {  	_ =	swait.ge [sflag:s14], $0x4000  }
0x22: {  	s16 =	simm.s32 $0x4F;
	[sflag:s14] =	ssyncset.done $0x0  }
.LBB2_4:
0x23: {  	p0 =	sne.s32 s16, $0x1;
	s16 =	sadd.s32 $0xFFFFFFFF, s16;
	[sflag:s14] =	ssyncadd.s32 $0xFFFFC000  }
.Ltmp1:
0x24: {  	(pc) =	sbr.rel @p0 .LBB2_4-.Ltmp1, $3  }
0x25: {  	_ =	sdelay $0x1  }
0x26: {  	_ =	swait.ge [sflag:s14], $0x4000  }
0x27: {  	[sflag:s14] =	ssyncset.done $0x0  }
0x28: {  	s15 =	sadd.s32 $0x1, s15  }
0x29: {  	[sflag:s14] =	ssyncadd.s32 $0xFFFFC000;
	p0 =	sne.s32 s15, s9  }
.Ltmp2:
0x2a: {  	[bflag:$0x0] =	sbarrier.arrive $0xFFFF;
	(pc) =	sbr.rel @p0 .LBB2_1-.Ltmp2, $4  }
0x2b: {  	[hbm:s8], [sflag:s6] =	dma.local [spmem:s10], $0x2800  }
0x2c: {  	_ =	swait.ge [sflag:s11], $0x2800  }
0x2d: {  	[sflag:s11] =	ssyncset.done $0x0  }
0x2e: {  	[sflag:s11] =	ssyncadd.s32 $0xFFFFD800  }
0x2f: {  	_ =	sfence.sel $0x180000  }
0x30: {  	[bflag:$0x0] =	sbarrier.arrive $0xFFFF  }
0x31: {  	p0 =	sne.s32 s0, $0x0;
	_ =	strace $0x90000050  }
0x32: {  	s0 =	sadd.s32 @!p0 $0x100000, s1;
	[bflag:$0x2] =	sbarrier.arrive $0xFFFF  }
0x33: {  	[sflag:s0] =	ssyncadd.tile.s32 @!p0 $0x1;
	_ =	shalt  }
.Lfunc_end2:
_tile_overlayer_lowered:
.L_overlay_start_2:
0x34: {  	(tag) =	ssettag $0x2  }
0x35: {  	s0 =	rddreg [dreg:$0x0];
	s2 =	stileid.u32  }
0x36: {  	s1 =	rddreg [dreg:$0x1];
	p0 =	sne.s32 s2, $0x0  }
0x37: {  	s3 =	rddreg [dreg:$0x2];
	[bflag:$0x3] =	sbarrier.arrive $0xFFFF;
	s2 =	simm.s32 @!p0 $0x1C02  }
0x38: {  	[timem:s3], [sflag:s2] =	dma.local @!p0 [hbm:s0], s1  }
0x39: {  	s0 =	simm.s32 @!p0 $0x2  }
0x3a: {  	_ =	swait.ge @!p0 [sflag:s0], s1  }
0x3b: {  	s1 =	ssub.s32 @!p0 $0x0, s1;
	[sflag:s0] =	ssyncset.done @!p0 $0x0  }
0x3c: {  	[sflag:s0] =	ssyncadd.s32 @!p0 s1  }
0x3d: {  	[bflag:$0x3] =	sbarrier.arrive $0xFFFF  }
0x3e: {  	_ =	shalt  }

</sc_bundles>
